<compile_context>
chip_gen: v7x
topology: tpu7x:2x2x1
jax: 0.10.2.dev20260603
libtpu: 0.0.44.dev20260713+nightly
codegen_flags: <defaults>
</compile_context>

<pallas_src>
import functools

import jax
import jax.numpy as jnp
from jax import lax
from jax.experimental import pallas as pl
from jax.experimental.pallas import tpu as pltpu
from jax.experimental.pallas import tpu_sc as plsc

N = 10000
E = 320000
KS = 5
NS_SAMPLES = 5000
KNN = 3

NC = 2
NSUB = 16
NW = NC * NSUB
LANES = 16

ROWW = 32
CNT_COL = 25
EPW = E // NW
EBATCH = 80
NGRP = EBATCH // LANES

GATHER_D = 48
NS_PAD = 5120
ROWS_PW = NS_PAD // NW

FPS_R = 80
FPS_C = 128

QBLK = 400


def _conv_scatter_body(x_hbm, src_hbm, dst_hbm, ea_hbm, zero_hbm, out_hbm,
                       x_v, src_v, dst_v, ea_v, vals_v, idx_v, b_sh):
    c = lax.axis_index("c")
    s = lax.axis_index("s")
    wid = c * NSUB + s
    ebase = wid * EPW

    zchunk = N // NSUB
    pltpu.sync_copy(zero_hbm.at[pl.ds(0, zchunk)], b_sh.at[pl.ds(s * zchunk, zchunk)])

    pltpu.sync_copy(x_hbm, x_v)
    pltpu.sync_copy(src_hbm.at[pl.ds(ebase, EPW)], src_v)
    pltpu.sync_copy(dst_hbm.at[pl.ds(ebase, EPW)], dst_v)
    pltpu.sync_copy(ea_hbm.at[pl.ds(2 * ebase, 2 * EPW)], ea_v)
    plsc.subcore_barrier()

    lanes = lax.iota(jnp.int32, LANES)
    ones16 = jnp.full((LANES,), 1.0, jnp.float32)
    zeros16 = jnp.zeros((LANES,), jnp.float32)

    @pl.loop(0, EPW // EBATCH)
    def _batch(b):
        @pl.loop(0, EBATCH)
        def _z(r):
            vals_v[r, pl.ds(0, LANES)] = zeros16
            vals_v[r, pl.ds(LANES, LANES)] = zeros16

        @pl.loop(0, NGRP)
        def _grp(g):
            off = b * EBATCH + g * LANES
            src16 = src_v[pl.ds(off, LANES)]
            dst16 = dst_v[pl.ds(off, LANES)]
            eidx = (off + lanes) * 2
            u = plsc.load_gather(ea_v, [eidx])
            v = plsc.load_gather(ea_v, [eidx + 1])
            xs = plsc.load_gather(x_v, [src16])
            vu = u * (KS - 1.0)
            vv = v * (KS - 1.0)
            bui = jnp.clip(vu.astype(jnp.int32), 0, KS - 2)
            bvi = jnp.clip(vv.astype(jnp.int32), 0, KS - 2)
            bu = bui.astype(jnp.float32)
            bv = bvi.astype(jnp.float32)
            fu = vu - bu
            fv = vv - bv
            row = g * LANES + lanes
            for i0 in (0, 1):
                for i1 in (0, 1):
                    w0 = fu if i0 else (1.0 - fu)
                    w1 = fv if i1 else (1.0 - fv)
                    val = w0 * w1 * xs
                    kk = (bui + i0) + KS * (bvi + i1)
                    plsc.addupdate_scatter(vals_v, [row, kk], val)
            plsc.addupdate_scatter(vals_v, [row, jnp.full((LANES,), CNT_COL, jnp.int32)], ones16)
            idx_v[pl.ds(g * LANES, LANES)] = dst16

        pltpu.sync_copy(vals_v, b_sh.at[idx_v], add=True)

    plsc.subcore_barrier()
    pltpu.sync_copy(b_sh.at[pl.ds(s * zchunk, zchunk)],
                    out_hbm.at[c, pl.ds(s * zchunk, zchunk)])


def _conv_scatter(x, src, dst, edge_attr_flat, zeros_rows):
    mesh = plsc.VectorSubcoreMesh(core_axis_name="c", subcore_axis_name="s")
    kfn = pl.kernel(
        _conv_scatter_body,
        out_type=jax.ShapeDtypeStruct((NC, N, ROWW), jnp.float32),
        mesh=mesh,
        scratch_types=[
            pltpu.VMEM((N,), jnp.float32),
            pltpu.VMEM((EPW,), jnp.int32),
            pltpu.VMEM((EPW,), jnp.int32),
            pltpu.VMEM((2 * EPW,), jnp.float32),
            pltpu.VMEM((EBATCH, ROWW), jnp.float32),
            pltpu.VMEM((EBATCH,), jnp.int32),
            pltpu.VMEM_SHARED((N, ROWW), jnp.float32),
        ],
        compiler_params=pltpu.CompilerParams(
            use_tc_tiling_on_sc=False, needs_layout_passes=False),
    )
    return kfn(x, src, dst, edge_attr_flat, zeros_rows)


def _combine_body(bext_ref, x_ref, px_ref, py_ref, wsp_ref, wroot_ref,
                  bconv_ref, tab_ref):
    b = bext_ref[0] + bext_ref[1]
    basis = b[:, :KS * KS]
    cnt = b[:, CNT_COL:CNT_COL + 1]
    num = jnp.dot(basis, wsp_ref[...], preferred_element_type=jnp.float32,
                  precision=lax.Precision.HIGHEST)
    aggr = num / jnp.maximum(cnt, 1.0)
    h = aggr + x_ref[...] * wroot_ref[...] + bconv_ref[...]
    h = jnp.where(h > 0.0, h, jnp.exp(h) - 1.0)
    tab_ref[:, 0:32] = h
    tab_ref[:, 32:33] = px_ref[...]
    tab_ref[:, 33:34] = py_ref[...]
    tab_ref[:, 34:GATHER_D] = jnp.zeros((CBLK, GATHER_D - 34), jnp.float32)


CBLK = 2000


def _combine(bext, x2, px2, py2, wsp25, wroot, bconv2):
    return pl.pallas_call(
        _combine_body,
        grid=(N // CBLK,),
        in_specs=[
            pl.BlockSpec((NC, CBLK, ROWW), lambda i: (0, i, 0)),
            pl.BlockSpec((CBLK, 1), lambda i: (i, 0)),
            pl.BlockSpec((CBLK, 1), lambda i: (i, 0)),
            pl.BlockSpec((CBLK, 1), lambda i: (i, 0)),
            pl.BlockSpec((KS * KS, 32), lambda i: (0, 0)),
            pl.BlockSpec((1, 32), lambda i: (0, 0)),
            pl.BlockSpec((1, 32), lambda i: (0, 0)),
        ],
        out_specs=pl.BlockSpec((CBLK, GATHER_D), lambda i: (i, 0)),
        out_shape=jax.ShapeDtypeStruct((N, GATHER_D), jnp.float32),
    )(bext, x2, px2, py2, wsp25, wroot, bconv2)


def _fps_body(px_ref, py_ref, pxs_ref, pys_ref, idx_ref):
    px = px_ref[...]
    py = py_ref[...]
    lin = lax.broadcasted_iota(jnp.int32, (FPS_R, FPS_C), 0) * FPS_C + \
        lax.broadcasted_iota(jnp.int32, (FPS_R, FPS_C), 1)
    valid = lin < N
    sx = pxs_ref[0]
    sy = pys_ref[0]
    dx = px - sx
    dy = py - sy
    d0 = dx * dx + dy * dy
    dists0 = jnp.where(valid, d0, -1.0)
    idx_ref[0] = jnp.int32(0)

    def body(i, dists):
        sel = jnp.argmax(dists).astype(jnp.int32)
        nx = pxs_ref[sel]
        ny = pys_ref[sel]
        ddx = px - nx
        ddy = py - ny
        d = ddx * ddx + ddy * ddy
        idx_ref[i] = sel
        return jnp.minimum(dists, d)

    lax.fori_loop(1, NS_SAMPLES, body, dists0)


def _fps(px, py, pxs, pys):
    return pl.pallas_call(
        _fps_body,
        in_specs=[
            pl.BlockSpec(memory_space=pltpu.VMEM),
            pl.BlockSpec(memory_space=pltpu.VMEM),
            pl.BlockSpec(memory_space=pltpu.SMEM),
            pl.BlockSpec(memory_space=pltpu.SMEM),
        ],
        out_shape=jax.ShapeDtypeStruct((NS_SAMPLES,), jnp.int32),
        out_specs=pl.BlockSpec(memory_space=pltpu.SMEM),
    )(px, py, pxs, pys)


def _gather_body(tab_hbm, idx_hbm, out_hbm, idx_v, rows_v, sem):
    c = lax.axis_index("c")
    s = lax.axis_index("s")
    wid = s * NC + c
    base = wid * ROWS_PW
    pltpu.sync_copy(idx_hbm.at[pl.ds(base, ROWS_PW)], idx_v)
    pltpu.async_copy(tab_hbm.at[idx_v], rows_v, sem).wait()
    pltpu.sync_copy(rows_v, out_hbm.at[pl.ds(base, ROWS_PW)])


def _sc_gather(table, idx_pad):
    mesh = plsc.VectorSubcoreMesh(core_axis_name="c", subcore_axis_name="s")
    kfn = pl.kernel(
        _gather_body,
        out_type=jax.ShapeDtypeStruct((NS_PAD, GATHER_D), jnp.float32),
        mesh=mesh,
        scratch_types=[
            pltpu.VMEM((ROWS_PW,), jnp.int32),
            pltpu.VMEM((ROWS_PW, GATHER_D), jnp.float32),
            pltpu.SemaphoreType.DMA,
        ],
        compiler_params=pltpu.CompilerParams(
            use_tc_tiling_on_sc=False, needs_layout_passes=False),
    )
    return kfn(table, idx_pad)


def _knn_body(qx_ref, qy_ref, pdx_ref, pdy_ref, xd_ref, xi_ref):
    qx = qx_ref[...]
    qy = qy_ref[...]
    pdx = pdx_ref[...]
    pdy = pdy_ref[...]
    nd2 = pdx * pdx + pdy * pdy
    q2 = qx * qx + qy * qy
    qxb = qx.astype(jnp.bfloat16).astype(jnp.float32)
    qyb = qy.astype(jnp.bfloat16).astype(jnp.float32)
    pdxb = pdx.astype(jnp.bfloat16).astype(jnp.float32)
    pdyb = pdy.astype(jnp.bfloat16).astype(jnp.float32)
    mm = qxb * pdxb + qyb * pdyb
    d2 = (q2 + nd2) - 2.0 * mm
    citer = lax.broadcasted_iota(jnp.int32, (QBLK, NS_SAMPLES), 1)
    inf = jnp.float32(jnp.inf)
    S = jnp.zeros((QBLK, NS_SAMPLES), jnp.float32)
    ws = jnp.zeros((QBLK, 1), jnp.float32)
    for _ in range(KNN):
        m = jnp.min(d2, axis=1, keepdims=True)
        j = jnp.min(jnp.where(d2 == m, citer, jnp.int32(2**30)), axis=1,
                    keepdims=True)
        w = 1.0 / jnp.maximum(m, 1e-16)
        oh = citer == j
        S = S + jnp.where(oh, w, 0.0)
        ws = ws + w
        d2 = jnp.where(oh, inf, d2)
    xi = jnp.dot(S, xd_ref[...], preferred_element_type=jnp.float32,
                 precision=lax.Precision.HIGHEST)
    xi_ref[...] = xi / ws


def _knn(qx, qy, pdx, pdy, xd):
    grid = N // QBLK
    return pl.pallas_call(
        _knn_body,
        grid=(grid,),
        in_specs=[
            pl.BlockSpec((QBLK, 1), lambda i: (i, 0)),
            pl.BlockSpec((QBLK, 1), lambda i: (i, 0)),
            pl.BlockSpec((1, NS_SAMPLES), lambda i: (0, 0)),
            pl.BlockSpec((1, NS_SAMPLES), lambda i: (0, 0)),
            pl.BlockSpec((NS_SAMPLES, 32), lambda i: (0, 0)),
        ],
        out_specs=pl.BlockSpec((QBLK, 32), lambda i: (i, 0)),
        out_shape=jax.ShapeDtypeStruct((N, 32), jnp.float32),
    )(qx, qy, pdx, pdy, xd)


def _bn(h, g, beta):
    mu = jnp.mean(h, axis=0, keepdims=True)
    var = jnp.mean((h - mu) ** 2, axis=0, keepdims=True)
    return g * (h - mu) / jnp.sqrt(var + 1e-5) + beta


def _mlp_body(xi_ref, x2_ref, w1a_ref, w1b_ref, b1_ref, g1_ref, be1_ref,
              w2_ref, b2_ref, g2_ref, be2_ref, w3_ref, b3_ref, g3_ref, be3_ref,
              out_ref):
    def bdot(a, b):
        return jnp.dot(a.astype(jnp.bfloat16), b.astype(jnp.bfloat16),
                       preferred_element_type=jnp.float32)

    xi = xi_ref[...]
    x2b = x2_ref[...].astype(jnp.bfloat16).astype(jnp.float32)
    w1bb = w1b_ref[...].astype(jnp.bfloat16).astype(jnp.float32)
    h = bdot(xi, w1a_ref[...]) + x2b * w1bb + b1_ref[...]
    h = jnp.maximum(h, 0.0)
    h = _bn(h, g1_ref[...], be1_ref[...])
    h = bdot(h, w2_ref[...]) + b2_ref[...]
    h = jnp.maximum(h, 0.0)
    h = _bn(h, g2_ref[...], be2_ref[...])
    h = bdot(h, w3_ref[...]) + b3_ref[...]
    h = jnp.maximum(h, 0.0)
    h = _bn(h, g3_ref[...], be3_ref[...])
    out_ref[...] = 1.0 / (1.0 + jnp.exp(-h))


def _mlp(xi, x2, w1a, w1b, b1, g1, be1, W2, b2, g2, be2, W3, b3, g3, be3):
    args = (xi, x2, w1a, w1b, b1, g1, be1, W2, b2, g2, be2, W3, b3, g3, be3)
    return pl.pallas_call(
        _mlp_body,
        out_shape=jax.ShapeDtypeStruct((N, 1), jnp.float32),
    )(*args)


def kernel(x, pos, batch, edge_index, edge_attr, Wsp, Wroot, bconv,
           W1, b1, g1, be1, W2, b2, g2, be2, W3, b3, g3, be3):
    x = x.astype(jnp.float32)
    ea_flat = edge_attr.reshape(-1)
    zeros_rows = jnp.zeros((N // NSUB, ROWW), jnp.float32)

    bext = _conv_scatter(x, edge_index[0], edge_index[1], ea_flat, zeros_rows)

    x2 = x[:, None]
    wsp25 = Wsp[:, 0, :]
    posx = pos[:, 0]
    posy = pos[:, 1]
    table = _combine(bext, x2, posx[:, None], posy[:, None], wsp25, Wroot,
                     bconv[None, :])

    pad = FPS_R * FPS_C - N
    px = jnp.pad(posx, (0, pad)).reshape(FPS_R, FPS_C)
    py = jnp.pad(posy, (0, pad)).reshape(FPS_R, FPS_C)
    idx = _fps(px, py, posx, posy)

    idx_pad = jnp.concatenate(
        [idx, jnp.zeros((NS_PAD - NS_SAMPLES,), jnp.int32)])
    g = _sc_gather(table, idx_pad)

    xd = g[:NS_SAMPLES, :32]
    pdx = g[:NS_SAMPLES, 32].reshape(1, NS_SAMPLES)
    pdy = g[:NS_SAMPLES, 33].reshape(1, NS_SAMPLES)
    qx = posx[:, None]
    qy = posy[:, None]
    xi = _knn(qx, qy, pdx, pdy, xd)

    out = _mlp(xi, x2, W1[:32, :], W1[32:33, :], b1[None, :], g1[None, :],
               be1[None, :], W2, b2[None, :], g2[None, :], be2[None, :],
               W3, b3[None, :], g3[None, :], be3[None, :])
    return out

# --- scband reference (transcript-rebuilt; emitter-appended) ---
"""Pipeline reference for scband-gfcnd-12524124635536 (READ-ONLY COPY).

The authoritative reference and input builder live on the scoring server;
editing this copy changes nothing except your own understanding.
"""

import jax, jax.numpy as jnp
import numpy as np

N = 10000
E = 320000
KS = 5
NS = 5000
KNN = 3

def setup_inputs(seed: int = 0):
    key = jax.random.key(seed)
    ks = jax.random.split(key, 16)
    inp = {}
    inp["x"] = jax.random.normal(ks[0], (N,), dtype=jnp.float32)
    inp["pos"] = jax.random.uniform(ks[1], (N, 2), dtype=jnp.float32)
    inp["batch"] = jnp.zeros((N,), dtype=jnp.int32)
    inp["edge_index"] = jax.random.randint(ks[2], (2, E), 0, N, dtype=jnp.int32)
    inp["edge_attr"] = jax.random.uniform(ks[3], (E, 2), dtype=jnp.float32)
    inp["Wsp"] = jax.random.normal(ks[4], (KS * KS, 1, 32), dtype=jnp.float32) * 0.3
    inp["Wroot"] = jax.random.normal(ks[5], (1, 32), dtype=jnp.float32) * 0.3
    inp["bconv"] = jnp.zeros((32,), dtype=jnp.float32)
    inp["W1"] = jax.random.normal(ks[6], (33, 32), dtype=jnp.float32) * 0.17
    inp["b1"] = jnp.zeros((32,), jnp.float32)
    inp["g1"] = jnp.ones((32,), jnp.float32)
    inp["be1"] = jnp.zeros((32,), jnp.float32)
    inp["W2"] = jax.random.normal(ks[7], (32, 32), dtype=jnp.float32) * 0.17
    inp["b2"] = jnp.zeros((32,), jnp.float32)
    inp["g2"] = jnp.ones((32,), jnp.float32)
    inp["be2"] = jnp.zeros((32,), jnp.float32)
    inp["W3"] = jax.random.normal(ks[8], (32, 1), dtype=jnp.float32) * 0.17
    inp["b3"] = jnp.zeros((1,), jnp.float32)
    inp["g3"] = jnp.ones((1,), jnp.float32)
    inp["be3"] = jnp.zeros((1,), jnp.float32)
    return inp

def spline_conv(x, edge_index, pseudo, Wsp, Wroot, bias):
    # SplineConv, dim=2, kernel_size=5, degree=1, open splines, aggr='mean', root_weight=True
    if x.ndim == 1:
        x = x[:, None]
    src, dst = edge_index[0], edge_index[1]
    v = pseudo * (KS - 1)
    bot = jnp.clip(jnp.floor(v), 0.0, KS - 2)
    frac = v - bot
    bot = bot.astype(jnp.int32)
    x_src = x[src]
    msg = jnp.zeros((pseudo.shape[0], Wsp.shape[2]), dtype=x.dtype)
    for i0 in (0, 1):
        for i1 in (0, 1):
            w0 = frac[:, 0] if i0 else (1.0 - frac[:, 0])
            w1 = frac[:, 1] if i1 else (1.0 - frac[:, 1])
            w = w0 * w1
            kidx = (bot[:, 0] + i0) + KS * (bot[:, 1] + i1)
            Wk = Wsp[kidx]  # [E, Cin, Cout]
            msg = msg + w[:, None] * jnp.einsum('ec,eco->eo', x_src, Wk)
    num = jax.ops.segment_sum(msg, dst, num_segments=x.shape[0])
    cnt = jax.ops.segment_sum(jnp.ones((msg.shape[0],), x.dtype), dst, num_segments=x.shape[0])
    aggr = num / jnp.clip(cnt, 1.0)[:, None]
    return aggr + x @ Wroot + bias

def fps(pos, n_samples):
    # farthest point sampling, deterministic start at index 0 (single batch)
    idxs0 = jnp.zeros((n_samples,), jnp.int32)
    d0 = jnp.sum((pos - pos[0]) ** 2, axis=1)
    def body(i, state):
        dists, idxs = state
        nxt = jnp.argmax(dists).astype(jnp.int32)
        idxs = idxs.at[i].set(nxt)
        d = jnp.sum((pos - pos[nxt]) ** 2, axis=1)
        dists = jnp.minimum(dists, d)
        return (dists, idxs)
    dists, idxs = jax.lax.fori_loop(1, n_samples, body, (d0, idxs0))
    return idxs

def knn_interpolate(xd, pos_d, pos_s, k):
    nd2 = jnp.sum(pos_d ** 2, axis=1)
    def chunk_fn(ps):
        d2 = jnp.sum(ps ** 2, axis=1)[:, None] + nd2[None, :] - 2.0 * (ps @ pos_d.T)
        neg, idx = jax.lax.top_k(-d2, k)
        d2k = jnp.maximum(-neg, 1e-16)
        w = 1.0 / d2k
        xk = xd[idx]
        return jnp.sum(w[..., None] * xk, axis=1) / jnp.sum(w, axis=1, keepdims=True)
    chunks = pos_s.reshape(10, -1, pos_s.shape[1])
    out = jax.lax.map(chunk_fn, chunks)
    return out.reshape(-1, xd.shape[1])

def mlp_block(h, W, b, g, beta):
    # Linear -> ReLU -> BatchNorm1d (training-mode batch stats, eps=1e-5)
    h = h @ W + b
    h = jax.nn.relu(h)
    mu = jnp.mean(h, axis=0)
    var = jnp.mean((h - mu) ** 2, axis=0)
    return g * (h - mu) / jnp.sqrt(var + 1e-5) + beta

def reference(x, pos, batch, edge_index, edge_attr, Wsp, Wroot, bconv, W1, b1, g1, be1, W2, b2, g2, be2, W3, b3, g3, be3):
    x_skip = x[:, None]  # input_state: data.x.unsqueeze(-1)
    h = jax.nn.elu(spline_conv(x, edge_index, edge_attr, Wsp, Wroot, bconv))
    idx = fps(jax.lax.stop_gradient(pos), NS)  # ratio=0.5
    x_d = h[idx]
    pos_d = pos[idx]
    # (radius graph / edge_attr[idx] in down() are dead w.r.t. the output)
    xi = knn_interpolate(x_d, pos_d, pos, KNN)  # k=3
    hcat = jnp.concatenate([xi, x_skip], axis=1)  # [N, 33]
    h1 = mlp_block(hcat, W1, b1, g1, be1)
    h2 = mlp_block(h1, W2, b2, g2, be2)
    h3 = mlp_block(h2, W3, b3, g3, be3)
    return jax.nn.sigmoid(h3)

if __name__ == "__main__":
    import jax
    _d = setup_inputs()
    print(jax.jit(kernel)(*tuple(_d.values())))

</pallas_src>

<mosaic_0001>
#map = affine_map<(d0, d1) -> (0, 0)>
#map1 = affine_map<(d0, d1) -> (0)>
module attributes {stable_mosaic.version = 14 : i64} {
  func.func @_gather_body(%arg0: i32, %arg1: i32, %arg2: memref<10000x48xf32, #tpu.memory_space<hbm>>, %arg3: memref<5120xi32, #tpu.memory_space<hbm>>, %arg4: memref<5120x48xf32, #tpu.memory_space<hbm>>, %arg5: memref<160xi32, #tpu.memory_space<vmem>>, %arg6: memref<160x48xf32, #tpu.memory_space<vmem>>, %arg7: memref<!tpu.dma_semaphore, #tpu.memory_space<semaphore_mem>>) attributes {dimension_semantics = [#tpu.dimension_semantics<core_parallel>, #tpu.dimension_semantics<subcore_parallel>], iteration_bounds = array<i64: 2, 16>, scalar_prefetch = 0 : i64, scratch_operands = 3 : i64, tpu.core_type = #tpu.core_type<sc_vector_subcore>, window_params = [{transform_indices = #map}, {transform_indices = #map1}, {transform_indices = #map}]} {
    %mul3A = arith.constant 2 : i32
    %mul3A_0 = arith.muli %arg1, %mul3A : i32
    %add3A = arith.addi %mul3A_0, %arg0 : i32
    %mul3A_1 = arith.constant 160 : i32
    %mul3A_2 = arith.muli %add3A, %mul3A_1 : i32
    "tpu.region"() ({
      %run_scoped3A = tpu.sem_alloc : memref<!tpu.dma_semaphore, #tpu.memory_space<semaphore_mem>>
      %dma_start3A_7 = tpu.memref_slice %arg3[%mul3A_2] : memref<5120xi32, #tpu.memory_space<hbm>> -> memref<160xi32, #tpu.memory_space<hbm>>
      %dma_start3A_8 = tpu.memref_slice %arg3[%mul3A_2] : memref<5120xi32, #tpu.memory_space<hbm>> -> memref<160xi32, #tpu.memory_space<hbm>>
      tpu.enqueue_dma source(%dma_start3A_8 : memref<160xi32, #tpu.memory_space<hbm>>) target(%arg5 : memref<160xi32, #tpu.memory_space<vmem>>) target_semaphore(%run_scoped3A : memref<!tpu.dma_semaphore, #tpu.memory_space<semaphore_mem>>)
      %dma_wait3A_9 = tpu.memref_slice %arg3[%mul3A_2] : memref<5120xi32, #tpu.memory_space<hbm>> -> memref<160xi32, #tpu.memory_space<hbm>>
      %dma_wait3A_10 = tpu.memref_slice %arg3[%mul3A_2] : memref<5120xi32, #tpu.memory_space<hbm>> -> memref<160xi32, #tpu.memory_space<hbm>>
      tpu.wait_dma2 semaphore(%run_scoped3A : memref<!tpu.dma_semaphore, #tpu.memory_space<semaphore_mem>>) src(%dma_wait3A_10 : memref<160xi32, #tpu.memory_space<hbm>>) dst(%arg5 : memref<160xi32, #tpu.memory_space<vmem>>)
      tpu.yield
    }) : () -> ()
    %dma_start3A = arith.constant 0 : i32
    %dma_start3A_3 = arith.constant 0 : i32
    %dma_start3A_4 = tpu.memref_slice %arg2[%dma_start3A, %dma_start3A_3] : memref<10000x48xf32, #tpu.memory_space<hbm>> -> memref<10000x48xf32, #tpu.memory_space<hbm>>
    tpu.enqueue_indirect_dma source(%dma_start3A_4 : memref<10000x48xf32, #tpu.memory_space<hbm>>) target(%arg6 : memref<160x48xf32, #tpu.memory_space<vmem>>) offsets(%arg5 : memref<160xi32, #tpu.memory_space<vmem>>) semaphore(%arg7 : memref<!tpu.dma_semaphore, #tpu.memory_space<semaphore_mem>>)
    %dma_wait3A = arith.constant 0 : i32
    %dma_wait3A_5 = arith.constant 0 : i32
    %dma_wait3A_6 = tpu.memref_slice %arg2[%dma_wait3A, %dma_wait3A_5] : memref<10000x48xf32, #tpu.memory_space<hbm>> -> memref<10000x48xf32, #tpu.memory_space<hbm>>
    tpu.wait_indirect_dma semaphore(%arg7 : memref<!tpu.dma_semaphore, #tpu.memory_space<semaphore_mem>>) src(%dma_wait3A_6 : memref<10000x48xf32, #tpu.memory_space<hbm>>) dst(%arg6 : memref<160x48xf32, #tpu.memory_space<vmem>>)
    "tpu.region"() ({
      %run_scoped3A = tpu.sem_alloc : memref<!tpu.dma_semaphore, #tpu.memory_space<semaphore_mem>>
      %dma_start3A_7 = arith.constant 0 : i32
      %dma_start3A_8 = tpu.memref_slice %arg4[%mul3A_2, %dma_start3A_7] : memref<5120x48xf32, #tpu.memory_space<hbm>> -> memref<160x48xf32, #tpu.memory_space<hbm>>
      %dma_start3A_9 = arith.constant 0 : i32
      %dma_start3A_10 = tpu.memref_slice %arg4[%mul3A_2, %dma_start3A_9] : memref<5120x48xf32, #tpu.memory_space<hbm>> -> memref<160x48xf32, #tpu.memory_space<hbm>>
      tpu.enqueue_dma source(%arg6 : memref<160x48xf32, #tpu.memory_space<vmem>>) target(%dma_start3A_10 : memref<160x48xf32, #tpu.memory_space<hbm>>) target_semaphore(%run_scoped3A : memref<!tpu.dma_semaphore, #tpu.memory_space<semaphore_mem>>)
      %dma_wait3A_11 = arith.constant 0 : i32
      %dma_wait3A_12 = tpu.memref_slice %arg4[%mul3A_2, %dma_wait3A_11] : memref<5120x48xf32, #tpu.memory_space<hbm>> -> memref<160x48xf32, #tpu.memory_space<hbm>>
      %dma_wait3A_13 = arith.constant 0 : i32
      %dma_wait3A_14 = tpu.memref_slice %arg4[%mul3A_2, %dma_wait3A_13] : memref<5120x48xf32, #tpu.memory_space<hbm>> -> memref<160x48xf32, #tpu.memory_space<hbm>>
      tpu.wait_dma2 semaphore(%run_scoped3A : memref<!tpu.dma_semaphore, #tpu.memory_space<semaphore_mem>>) src(%arg6 : memref<160x48xf32, #tpu.memory_space<vmem>>) dst(%dma_wait3A_14 : memref<160x48xf32, #tpu.memory_space<hbm>>)
      tpu.yield
    }) : () -> ()
    return
  }
}

#map = affine_map<(d0, d1) -> (0)>
#map1 = affine_map<(d0, d1) -> (0, 0)>
#map2 = affine_map<(d0, d1) -> (0, 0, 0)>
module attributes {stable_mosaic.version = 14 : i64} {
  func.func @_conv_scatter_body(%arg0: i32, %arg1: i32, %arg2: memref<10000xf32, #tpu.memory_space<hbm>>, %arg3: memref<320000xi32, #tpu.memory_space<hbm>>, %arg4: memref<320000xi32, #tpu.memory_space<hbm>>, %arg5: memref<640000xf32, #tpu.memory_space<hbm>>, %arg6: memref<625x32xf32, #tpu.memory_space<hbm>>, %arg7: memref<2x10000x32xf32, #tpu.memory_space<hbm>>, %arg8: memref<10000xf32, #tpu.memory_space<vmem>>, %arg9: memref<10000xi32, #tpu.memory_space<vmem>>, %arg10: memref<10000xi32, #tpu.memory_space<vmem>>, %arg11: memref<20000xf32, #tpu.memory_space<vmem>>, %arg12: memref<80x32xf32, #tpu.memory_space<vmem>>, %arg13: memref<80xi32, #tpu.memory_space<vmem>>, %arg14: memref<10000x32xf32, #tpu.memory_space<vmem_shared>>) attributes {dimension_semantics = [#tpu.dimension_semantics<core_parallel>, #tpu.dimension_semantics<subcore_parallel>], iteration_bounds = array<i64: 2, 16>, scalar_prefetch = 0 : i64, scratch_operands = 7 : i64, tpu.core_type = #tpu.core_type<sc_vector_subcore>, window_params = [{transform_indices = #map}, {transform_indices = #map}, {transform_indices = #map}, {transform_indices = #map}, {transform_indices = #map1}, {transform_indices = #map2}]} {
    %mul3A = arith.constant 16 : i32
    %mul3A_0 = arith.muli %arg0, %mul3A : i32
    %add3A = arith.addi %mul3A_0, %arg1 : i32
    %mul3A_1 = arith.constant 10000 : i32
    %mul3A_2 = arith.muli %add3A, %mul3A_1 : i32
    %mul3A_3 = arith.constant 625 : i32
    %mul3A_4 = arith.muli %arg1, %mul3A_3 : i32
    "tpu.region"() ({
      %run_scoped3A = tpu.sem_alloc : memref<!tpu.dma_semaphore, #tpu.memory_space<semaphore_mem>>
      %dma_start3A = arith.constant 0 : i32
      %dma_start3A_19 = tpu.memref_slice %arg14[%mul3A_4, %dma_start3A] : memref<10000x32xf32, #tpu.memory_space<vmem_shared>> -> memref<625x32xf32, #tpu.memory_space<vmem_shared>>
      %dma_start3A_20 = arith.constant 0 : i32
      %dma_start3A_21 = arith.constant 0 : i32
      %dma_start3A_22 = tpu.memref_slice %arg6[%dma_start3A_20, %dma_start3A_21] : memref<625x32xf32, #tpu.memory_space<hbm>> -> memref<625x32xf32, #tpu.memory_space<hbm>>
      tpu.enqueue_dma source(%dma_start3A_22 : memref<625x32xf32, #tpu.memory_space<hbm>>) target(%dma_start3A_19 : memref<625x32xf32, #tpu.memory_space<vmem_shared>>) target_semaphore(%run_scoped3A : memref<!tpu.dma_semaphore, #tpu.memory_space<semaphore_mem>>)
      %dma_wait3A = arith.constant 0 : i32
      %dma_wait3A_23 = tpu.memref_slice %arg14[%mul3A_4, %dma_wait3A] : memref<10000x32xf32, #tpu.memory_space<vmem_shared>> -> memref<625x32xf32, #tpu.memory_space<vmem_shared>>
      %dma_wait3A_24 = arith.constant 0 : i32
      %dma_wait3A_25 = arith.constant 0 : i32
      %dma_wait3A_26 = tpu.memref_slice %arg6[%dma_wait3A_24, %dma_wait3A_25] : memref<625x32xf32, #tpu.memory_space<hbm>> -> memref<625x32xf32, #tpu.memory_space<hbm>>
      tpu.wait_dma2 semaphore(%run_scoped3A : memref<!tpu.dma_semaphore, #tpu.memory_space<semaphore_mem>>) src(%dma_wait3A_26 : memref<625x32xf32, #tpu.memory_space<hbm>>) dst(%dma_wait3A_23 : memref<625x32xf32, #tpu.memory_space<vmem_shared>>)
      tpu.yield
    }) : () -> ()
    "tpu.region"() ({
      %run_scoped3A = tpu.sem_alloc : memref<!tpu.dma_semaphore, #tpu.memory_space<semaphore_mem>>
      tpu.enqueue_dma source(%arg2 : memref<10000xf32, #tpu.memory_space<hbm>>) target(%arg8 : memref<10000xf32, #tpu.memory_space<vmem>>) target_semaphore(%run_scoped3A : memref<!tpu.dma_semaphore, #tpu.memory_space<semaphore_mem>>)
      tpu.wait_dma2 semaphore(%run_scoped3A : memref<!tpu.dma_semaphore, #tpu.memory_space<semaphore_mem>>) src(%arg2 : memref<10000xf32, #tpu.memory_space<hbm>>) dst(%arg8 : memref<10000xf32, #tpu.memory_space<vmem>>)
      tpu.yield
    }) : () -> ()
    "tpu.region"() ({
      %run_scoped3A = tpu.sem_alloc : memref<!tpu.dma_semaphore, #tpu.memory_space<semaphore_mem>>
      %dma_start3A = tpu.memref_slice %arg3[%mul3A_2] : memref<320000xi32, #tpu.memory_space<hbm>> -> memref<10000xi32, #tpu.memory_space<hbm>>
      %dma_start3A_19 = tpu.memref_slice %arg3[%mul3A_2] : memref<320000xi32, #tpu.memory_space<hbm>> -> memref<10000xi32, #tpu.memory_space<hbm>>
      tpu.enqueue_dma source(%dma_start3A_19 : memref<10000xi32, #tpu.memory_space<hbm>>) target(%arg9 : memref<10000xi32, #tpu.memory_space<vmem>>) target_semaphore(%run_scoped3A : memref<!tpu.dma_semaphore, #tpu.memory_space<semaphore_mem>>)
      %dma_wait3A = tpu.memref_slice %arg3[%mul3A_2] : memref<320000xi32, #tpu.memory_space<hbm>> -> memref<10000xi32, #tpu.memory_space<hbm>>
      %dma_wait3A_20 = tpu.memref_slice %arg3[%mul3A_2] : memref<320000xi32, #tpu.memory_space<hbm>> -> memref<10000xi32, #tpu.memory_space<hbm>>
      tpu.wait_dma2 semaphore(%run_scoped3A : memref<!tpu.dma_semaphore, #tpu.memory_space<semaphore_mem>>) src(%dma_wait3A_20 : memref<10000xi32, #tpu.memory_space<hbm>>) dst(%arg9 : memref<10000xi32, #tpu.memory_space<vmem>>)
      tpu.yield
    }) : () -> ()
    "tpu.region"() ({
      %run_scoped3A = tpu.sem_alloc : memref<!tpu.dma_semaphore, #tpu.memory_space<semaphore_mem>>
      %dma_start3A = tpu.memref_slice %arg4[%mul3A_2] : memref<320000xi32, #tpu.memory_space<hbm>> -> memref<10000xi32, #tpu.memory_space<hbm>>
      %dma_start3A_19 = tpu.memref_slice %arg4[%mul3A_2] : memref<320000xi32, #tpu.memory_space<hbm>> -> memref<10000xi32, #tpu.memory_space<hbm>>
      tpu.enqueue_dma source(%dma_start3A_19 : memref<10000xi32, #tpu.memory_space<hbm>>) target(%arg10 : memref<10000xi32, #tpu.memory_space<vmem>>) target_semaphore(%run_scoped3A : memref<!tpu.dma_semaphore, #tpu.memory_space<semaphore_mem>>)
      %dma_wait3A = tpu.memref_slice %arg4[%mul3A_2] : memref<320000xi32, #tpu.memory_space<hbm>> -> memref<10000xi32, #tpu.memory_space<hbm>>
      %dma_wait3A_20 = tpu.memref_slice %arg4[%mul3A_2] : memref<320000xi32, #tpu.memory_space<hbm>> -> memref<10000xi32, #tpu.memory_space<hbm>>
      tpu.wait_dma2 semaphore(%run_scoped3A : memref<!tpu.dma_semaphore, #tpu.memory_space<semaphore_mem>>) src(%dma_wait3A_20 : memref<10000xi32, #tpu.memory_space<hbm>>) dst(%arg10 : memref<10000xi32, #tpu.memory_space<vmem>>)
      tpu.yield
    }) : () -> ()
    %mul3A_5 = arith.constant 2 : i32
    %mul3A_6 = arith.muli %mul3A_5, %mul3A_2 : i32
    "tpu.region"() ({
      %run_scoped3A = tpu.sem_alloc : memref<!tpu.dma_semaphore, #tpu.memory_space<semaphore_mem>>
      %dma_start3A = tpu.memref_slice %arg5[%mul3A_6] : memref<640000xf32, #tpu.memory_space<hbm>> -> memref<20000xf32, #tpu.memory_space<hbm>>
      %dma_start3A_19 = tpu.memref_slice %arg5[%mul3A_6] : memref<640000xf32, #tpu.memory_space<hbm>> -> memref<20000xf32, #tpu.memory_space<hbm>>
      tpu.enqueue_dma source(%dma_start3A_19 : memref<20000xf32, #tpu.memory_space<hbm>>) target(%arg11 : memref<20000xf32, #tpu.memory_space<vmem>>) target_semaphore(%run_scoped3A : memref<!tpu.dma_semaphore, #tpu.memory_space<semaphore_mem>>)
      %dma_wait3A = tpu.memref_slice %arg5[%mul3A_6] : memref<640000xf32, #tpu.memory_space<hbm>> -> memref<20000xf32, #tpu.memory_space<hbm>>
      %dma_wait3A_20 = tpu.memref_slice %arg5[%mul3A_6] : memref<640000xf32, #tpu.memory_space<hbm>> -> memref<20000xf32, #tpu.memory_space<hbm>>
      tpu.wait_dma2 semaphore(%run_scoped3A : memref<!tpu.dma_semaphore, #tpu.memory_space<semaphore_mem>>) src(%dma_wait3A_20 : memref<20000xf32, #tpu.memory_space<hbm>>) dst(%arg11 : memref<20000xf32, #tpu.memory_space<vmem>>)
      tpu.yield
    }) : () -> ()
    %barrier3A = arith.constant 0 : index
    tpu.barrier barrier_id(%barrier3A)
    %iota3A = tpu.iota {dimensions = array<i32: 0>} : vector<16xi32>
    %broadcast_in_dim3A = arith.constant 1.000000e+00 : f32
    %broadcast_in_dim3A_7 = vector.broadcast %broadcast_in_dim3A : f32 to vector<16xf32>
    %broadcast_in_dim3A_8 = arith.constant 0.000000e+00 : f32
    %broadcast_in_dim3A_9 = vector.broadcast %broadcast_in_dim3A_8 : f32 to vector<16xf32>
    %scan3A = arith.constant 0 : i32
    %scan3A_10 = arith.constant 125 : i32
    %scan3A_11 = arith.addi %scan3A, %scan3A_10 : i32
    %scan3A_12 = arith.constant 1 : i32
    scf.for %scan3A_19 = %scan3A to %scan3A_11 step %scan3A_12  : i32 {
      %mul3A_20 = arith.constant 1 : i32
      %mul3A_21 = arith.muli %scan3A_19, %mul3A_20 : i32
      %add3A_22 = arith.constant 0 : i32
      %add3A_23 = arith.addi %add3A_22, %mul3A_21 : i32
      %scan3A_24 = arith.constant 0 : i32
      %scan3A_25 = arith.constant 80 : i32
      %scan3A_26 = arith.addi %scan3A_24, %scan3A_25 : i32
      %scan3A_27 = arith.constant 1 : i32
      scf.for %scan3A_34 = %scan3A_24 to %scan3A_26 step %scan3A_27  : i32 {
        %mul3A_35 = arith.constant 1 : i32
        %mul3A_36 = arith.muli %scan3A_34, %mul3A_35 : i32
        %add3A_37 = arith.constant 0 : i32
        %add3A_38 = arith.addi %add3A_37, %mul3A_36 : i32
        %swap3A = arith.index_cast %add3A_38 : i32 to index
        %swap3A_39 = arith.constant 0 : index
        %swap3A_40 = tpu.vector_load %arg12[%swap3A, %swap3A_39] {strides = array<i32>} : memref<80x32xf32, #tpu.memory_space<vmem>>, vector<16xf32>,
        tpu.vector_store %arg12[%swap3A, %swap3A_39], %broadcast_in_dim3A_9 {strides = array<i32>} : memref<80x32xf32, #tpu.memory_space<vmem>>, vector<16xf32>,
        %swap3A_41 = arith.index_cast %add3A_38 : i32 to index
        %swap3A_42 = arith.constant 16 : index
        %swap3A_43 = tpu.vector_load %arg12[%swap3A_41, %swap3A_42] {strides = array<i32>} : memref<80x32xf32, #tpu.memory_space<vmem>>, vector<16xf32>,
        tpu.vector_store %arg12[%swap3A_41, %swap3A_42], %broadcast_in_dim3A_9 {strides = array<i32>} : memref<80x32xf32, #tpu.memory_space<vmem>>, vector<16xf32>,
      }
      %scan3A_28 = arith.constant 80 : i32
      %scan3A_29 = arith.constant 0 : i32
      %scan3A_30 = arith.constant 5 : i32
      %scan3A_31 = arith.addi %scan3A_29, %scan3A_30 : i32
      %scan3A_32 = arith.constant 1 : i32
      scf.for %scan3A_34 = %scan3A_29 to %scan3A_31 step %scan3A_32  : i32 {
        %mul3A_35 = arith.constant 1 : i32
        %mul3A_36 = arith.muli %scan3A_34, %mul3A_35 : i32
        %add3A_37 = arith.constant 0 : i32
        %add3A_38 = arith.addi %add3A_37, %mul3A_36 : i32
        %mul3A_39 = arith.constant 80 : i32
        %mul3A_40 = arith.muli %add3A_23, %mul3A_39 : i32
        %mul3A_41 = arith.constant 16 : i32
        %mul3A_42 = arith.muli %add3A_38, %mul3A_41 : i32
        %add3A_43 = arith.addi %mul3A_40, %mul3A_42 : i32
        %get3A = arith.index_cast %add3A_43 : i32 to index
        %get3A_44 = tpu.vector_load %arg9[%get3A] {strides = array<i32>} : memref<10000xi32, #tpu.memory_space<vmem>>, vector<16xi32>,
        %get3A_45 = arith.index_cast %add3A_43 : i32 to index
        %get3A_46 = tpu.vector_load %arg10[%get3A_45] {strides = array<i32>} : memref<10000xi32, #tpu.memory_space<vmem>>, vector<16xi32>,
        %add3A_47 = vector.broadcast %add3A_43 : i32 to vector<16xi32>
        %add3A_48 = arith.addi %add3A_47, %iota3A : vector<16xi32>
        %mul3A_49 = arith.constant 2 : i32
        %mul3A_50 = vector.broadcast %mul3A_49 : i32 to vector<16xi32>
        %mul3A_51 = arith.muli %add3A_48, %mul3A_50 : vector<16xi32>
        %gather3A = tpu.vector_load_idx %arg11[%mul3A_51] : memref<20000xf32, #tpu.memory_space<vmem>>[vector<16xi32>], vector<16xf32>,
        %add3A_52 = arith.constant 1 : i32
        %add3A_53 = vector.broadcast %add3A_52 : i32 to vector<16xi32>
        %add3A_54 = arith.addi %mul3A_51, %add3A_53 : vector<16xi32>
        %gather3A_55 = tpu.vector_load_idx %arg11[%add3A_54] : memref<20000xf32, #tpu.memory_space<vmem>>[vector<16xi32>], vector<16xf32>,
        %gather3A_56 = tpu.vector_load_idx %arg8[%get3A_44] : memref<10000xf32, #tpu.memory_space<vmem>>[vector<16xi32>], vector<16xf32>,
        %mul3A_57 = arith.constant 4.000000e+00 : f32
        %mul3A_58 = vector.broadcast %mul3A_57 : f32 to vector<16xf32>
        %mul3A_59 = arith.mulf %gather3A, %mul3A_58 : vector<16xf32>
        %mul3A_60 = arith.constant 4.000000e+00 : f32
        %mul3A_61 = vector.broadcast %mul3A_60 : f32 to vector<16xf32>
        %mul3A_62 = arith.mulf %gather3A_55, %mul3A_61 : vector<16xf32>
        %convert_element_type3A = arith.fptosi %mul3A_59 : vector<16xf32> to vector<16xi32>
        %jit3A = arith.constant 0 : i32
        %jit3A_63 = arith.constant 3 : i32
        %max3A = vector.broadcast %jit3A : i32 to vector<16xi32>
        %max3A_64 = arith.maxsi %max3A, %convert_element_type3A : vector<16xi32>
        %min3A = vector.broadcast %jit3A_63 : i32 to vector<16xi32>
        %min3A_65 = arith.minsi %min3A, %max3A_64 : vector<16xi32>
        %convert_element_type3A_66 = arith.fptosi %mul3A_62 : vector<16xf32> to vector<16xi32>
        %jit3A_67 = arith.constant 0 : i32
        %jit3A_68 = arith.constant 3 : i32
        %max3A_69 = vector.broadcast %jit3A_67 : i32 to vector<16xi32>
        %max3A_70 = arith.maxsi %max3A_69, %convert_element_type3A_66 : vector<16xi32>
        %min3A_71 = vector.broadcast %jit3A_68 : i32 to vector<16xi32>
        %min3A_72 = arith.minsi %min3A_71, %max3A_70 : vector<16xi32>
        %convert_element_type3A_73 = arith.sitofp %min3A_65 : vector<16xi32> to vector<16xf32>
        %convert_element_type3A_74 = arith.sitofp %min3A_72 : vector<16xi32> to vector<16xf32>
        %sub3A = arith.subf %mul3A_59, %convert_element_type3A_73 : vector<16xf32>
        %sub3A_75 = arith.subf %mul3A_62, %convert_element_type3A_74 : vector<16xf32>
        %mul3A_76 = arith.constant 16 : i32
        %mul3A_77 = arith.muli %add3A_38, %mul3A_76 : i32
        %add3A_78 = vector.broadcast %mul3A_77 : i32 to vector<16xi32>
        %add3A_79 = arith.addi %add3A_78, %iota3A : vector<16xi32>
        %sub3A_80 = arith.constant 1.000000e+00 : f32
        %sub3A_81 = vector.broadcast %sub3A_80 : f32 to vector<16xf32>
        %sub3A_82 = arith.subf %sub3A_81, %sub3A : vector<16xf32>
        %sub3A_83 = arith.constant 1.000000e+00 : f32
        %sub3A_84 = vector.broadcast %sub3A_83 : f32 to vector<16xf32>
        %sub3A_85 = arith.subf %sub3A_84, %sub3A_75 : vector<16xf32>
        %mul3A_86 = arith.mulf %sub3A_82, %sub3A_85 : vector<16xf32>
        %mul3A_87 = arith.mulf %mul3A_86, %gather3A_56 : vector<16xf32>
        %add3A_88 = arith.constant 0 : i32
        %add3A_89 = vector.broadcast %add3A_88 : i32 to vector<16xi32>
        %add3A_90 = arith.addi %min3A_65, %add3A_89 : vector<16xi32>
        %add3A_91 = arith.constant 0 : i32
        %add3A_92 = vector.broadcast %add3A_91 : i32 to vector<16xi32>
        %add3A_93 = arith.addi %min3A_72, %add3A_92 : vector<16xi32>
        %mul3A_94 = arith.constant 5 : i32
        %mul3A_95 = vector.broadcast %mul3A_94 : i32 to vector<16xi32>
        %mul3A_96 = arith.muli %mul3A_95, %add3A_93 : vector<16xi32>
        %add3A_97 = arith.addi %add3A_90, %mul3A_96 : vector<16xi32>
        tpu.vector_store_idx %arg12[%add3A_79, %add3A_97], %mul3A_87 {add = true} : memref<80x32xf32, #tpu.memory_space<vmem>>[vector<16xi32>, vector<16xi32>], vector<16xf32>,
        %sub3A_98 = arith.constant 1.000000e+00 : f32
        %sub3A_99 = vector.broadcast %sub3A_98 : f32 to vector<16xf32>
        %sub3A_100 = arith.subf %sub3A_99, %sub3A : vector<16xf32>
        %mul3A_101 = arith.mulf %sub3A_100, %sub3A_75 : vector<16xf32>
        %mul3A_102 = arith.mulf %mul3A_101, %gather3A_56 : vector<16xf32>
        %add3A_103 = arith.constant 0 : i32
        %add3A_104 = vector.broadcast %add3A_103 : i32 to vector<16xi32>
        %add3A_105 = arith.addi %min3A_65, %add3A_104 : vector<16xi32>
        %add3A_106 = arith.constant 1 : i32
        %add3A_107 = vector.broadcast %add3A_106 : i32 to vector<16xi32>
        %add3A_108 = arith.addi %min3A_72, %add3A_107 : vector<16xi32>
        %mul3A_109 = arith.constant 5 : i32
        %mul3A_110 = vector.broadcast %mul3A_109 : i32 to vector<16xi32>
        %mul3A_111 = arith.muli %mul3A_110, %add3A_108 : vector<16xi32>
        %add3A_112 = arith.addi %add3A_105, %mul3A_111 : vector<16xi32>
        tpu.vector_store_idx %arg12[%add3A_79, %add3A_112], %mul3A_102 {add = true} : memref<80x32xf32, #tpu.memory_space<vmem>>[vector<16xi32>, vector<16xi32>], vector<16xf32>,
        %sub3A_113 = arith.constant 1.000000e+00 : f32
        %sub3A_114 = vector.broadcast %sub3A_113 : f32 to vector<16xf32>
        %sub3A_115 = arith.subf %sub3A_114, %sub3A_75 : vector<16xf32>
        %mul3A_116 = arith.mulf %sub3A, %sub3A_115 : vector<16xf32>
        %mul3A_117 = arith.mulf %mul3A_116, %gather3A_56 : vector<16xf32>
        %add3A_118 = arith.constant 1 : i32
        %add3A_119 = vector.broadcast %add3A_118 : i32 to vector<16xi32>
        %add3A_120 = arith.addi %min3A_65, %add3A_119 : vector<16xi32>
        %add3A_121 = arith.constant 0 : i32
        %add3A_122 = vector.broadcast %add3A_121 : i32 to vector<16xi32>
        %add3A_123 = arith.addi %min3A_72, %add3A_122 : vector<16xi32>
        %mul3A_124 = arith.constant 5 : i32
        %mul3A_125 = vector.broadcast %mul3A_124 : i32 to vector<16xi32>
        %mul3A_126 = arith.muli %mul3A_125, %add3A_123 : vector<16xi32>
        %add3A_127 = arith.addi %add3A_120, %mul3A_126 : vector<16xi32>
        tpu.vector_store_idx %arg12[%add3A_79, %add3A_127], %mul3A_117 {add = true} : memref<80x32xf32, #tpu.memory_space<vmem>>[vector<16xi32>, vector<16xi32>], vector<16xf32>,
        %mul3A_128 = arith.mulf %sub3A, %sub3A_75 : vector<16xf32>
        %mul3A_129 = arith.mulf %mul3A_128, %gather3A_56 : vector<16xf32>
        %add3A_130 = arith.constant 1 : i32
        %add3A_131 = vector.broadcast %add3A_130 : i32 to vector<16xi32>
        %add3A_132 = arith.addi %min3A_65, %add3A_131 : vector<16xi32>
        %add3A_133 = arith.constant 1 : i32
        %add3A_134 = vector.broadcast %add3A_133 : i32 to vector<16xi32>
        %add3A_135 = arith.addi %min3A_72, %add3A_134 : vector<16xi32>
        %mul3A_136 = arith.constant 5 : i32
        %mul3A_137 = vector.broadcast %mul3A_136 : i32 to vector<16xi32>
        %mul3A_138 = arith.muli %mul3A_137, %add3A_135 : vector<16xi32>
        %add3A_139 = arith.addi %add3A_132, %mul3A_138 : vector<16xi32>
        tpu.vector_store_idx %arg12[%add3A_79, %add3A_139], %mul3A_129 {add = true} : memref<80x32xf32, #tpu.memory_space<vmem>>[vector<16xi32>, vector<16xi32>], vector<16xf32>,
        %broadcast_in_dim3A_140 = arith.constant 25 : i32
        %broadcast_in_dim3A_141 = vector.broadcast %broadcast_in_dim3A_140 : i32 to vector<16xi32>
        tpu.vector_store_idx %arg12[%add3A_79, %broadcast_in_dim3A_141], %broadcast_in_dim3A_7 {add = true} : memref<80x32xf32, #tpu.memory_space<vmem>>[vector<16xi32>, vector<16xi32>], vector<16xf32>,
        %mul3A_142 = arith.constant 16 : i32
        %mul3A_143 = arith.muli %add3A_38, %mul3A_142 : i32
        %swap3A = arith.index_cast %mul3A_143 : i32 to index
        %swap3A_144 = tpu.vector_load %arg13[%swap3A] {strides = array<i32>} : memref<80xi32, #tpu.memory_space<vmem>>, vector<16xi32>,
        tpu.vector_store %arg13[%swap3A], %get3A_46 {strides = array<i32>} : memref<80xi32, #tpu.memory_space<vmem>>, vector<16xi32>,
      }
      %scan3A_33 = arith.constant 5 : i32
      "tpu.region"() ({
        %run_scoped3A = tpu.sem_alloc : memref<!tpu.dma_semaphore, #tpu.memory_space<semaphore_mem>>
        %dma_start3A = arith.constant 0 : i32
        %dma_start3A_34 = arith.constant 0 : i32
        %dma_start3A_35 = tpu.memref_slice %arg14[%dma_start3A, %dma_start3A_34] : memref<10000x32xf32, #tpu.memory_space<vmem_shared>> -> memref<10000x32xf32, #tpu.memory_space<vmem_shared>>
        tpu.enqueue_indirect_dma source(%arg12 : memref<80x32xf32, #tpu.memory_space<vmem>>) target(%dma_start3A_35 : memref<10000x32xf32, #tpu.memory_space<vmem_shared>>) offsets(%arg13 : memref<80xi32, #tpu.memory_space<vmem>>) semaphore(%run_scoped3A : memref<!tpu.dma_semaphore, #tpu.memory_space<semaphore_mem>>) {add = true}
        %dma_wait3A = arith.constant 0 : i32
        %dma_wait3A_36 = arith.constant 0 : i32
        %dma_wait3A_37 = tpu.memref_slice %arg14[%dma_wait3A, %dma_wait3A_36] : memref<10000x32xf32, #tpu.memory_space<vmem_shared>> -> memref<10000x32xf32, #tpu.memory_space<vmem_shared>>
        tpu.wait_indirect_dma semaphore(%run_scoped3A : memref<!tpu.dma_semaphore, #tpu.memory_space<semaphore_mem>>) src(%arg12 : memref<80x32xf32, #tpu.memory_space<vmem>>) dst(%dma_wait3A_37 : memref<10000x32xf32, #tpu.memory_space<vmem_shared>>)
        tpu.yield
      }) : () -> ()
    }
    %scan3A_13 = arith.constant 125 : i32
    %barrier3A_14 = arith.constant 0 : index
    tpu.barrier barrier_id(%barrier3A_14)
    %mul3A_15 = arith.constant 625 : i32
    %mul3A_16 = arith.muli %arg1, %mul3A_15 : i32
    %mul3A_17 = arith.constant 625 : i32
    %mul3A_18 = arith.muli %arg1, %mul3A_17 : i32
    "tpu.region"() ({
      %run_scoped3A = tpu.sem_alloc : memref<!tpu.dma_semaphore, #tpu.memory_space<semaphore_mem>>
      %dma_start3A = arith.constant 0 : i32
      %dma_start3A_19 = tpu.memref_slice %arg7[%arg0, %mul3A_18, %dma_start3A] : memref<2x10000x32xf32, #tpu.memory_space<hbm>> -> memref<1x625x32xf32, #tpu.memory_space<hbm>>
      %dma_start3A_20 = tpu.memref_squeeze %dma_start3A_19 : memref<1x625x32xf32, #tpu.memory_space<hbm>> -> memref<625x32xf32, #tpu.memory_space<hbm>>
      %dma_start3A_21 = arith.constant 0 : i32
      %dma_start3A_22 = tpu.memref_slice %arg14[%mul3A_16, %dma_start3A_21] : memref<10000x32xf32, #tpu.memory_space<vmem_shared>> -> memref<625x32xf32, #tpu.memory_space<vmem_shared>>
      tpu.enqueue_dma source(%dma_start3A_22 : memref<625x32xf32, #tpu.memory_space<vmem_shared>>) target(%dma_start3A_20 : memref<625x32xf32, #tpu.memory_space<hbm>>) target_semaphore(%run_scoped3A : memref<!tpu.dma_semaphore, #tpu.memory_space<semaphore_mem>>)
      %dma_wait3A = arith.constant 0 : i32
      %dma_wait3A_23 = tpu.memref_slice %arg7[%arg0, %mul3A_18, %dma_wait3A] : memref<2x10000x32xf32, #tpu.memory_space<hbm>> -> memref<1x625x32xf32, #tpu.memory_space<hbm>>
      %dma_wait3A_24 = tpu.memref_squeeze %dma_wait3A_23 : memref<1x625x32xf32, #tpu.memory_space<hbm>> -> memref<625x32xf32, #tpu.memory_space<hbm>>
      %dma_wait3A_25 = arith.constant 0 : i32
      %dma_wait3A_26 = tpu.memref_slice %arg14[%mul3A_16, %dma_wait3A_25] : memref<10000x32xf32, #tpu.memory_space<vmem_shared>> -> memref<625x32xf32, #tpu.memory_space<vmem_shared>>
      tpu.wait_dma2 semaphore(%run_scoped3A : memref<!tpu.dma_semaphore, #tpu.memory_space<semaphore_mem>>) src(%dma_wait3A_26 : memref<625x32xf32, #tpu.memory_space<vmem_shared>>) dst(%dma_wait3A_24 : memref<625x32xf32, #tpu.memory_space<hbm>>)
      tpu.yield
    }) : () -> ()
    return
  }
}

module attributes {stable_mosaic.version = 14 : i64} {
  func.func @_fps_body(%arg0: memref<80x128xf32, #tpu.memory_space<vmem>>, %arg1: memref<80x128xf32, #tpu.memory_space<vmem>>, %arg2: memref<10000xf32, #tpu.memory_space<smem>>, %arg3: memref<10000xf32, #tpu.memory_space<smem>>, %arg4: memref<5000xi32, #tpu.memory_space<smem>>) attributes {dimension_semantics = [], scalar_prefetch = 0 : i64, scratch_operands = 0 : i64, tpu.core_type = #tpu.core_type<tc>} {
    %get3A = arith.constant 0 : index
    %get3A_0 = arith.constant 0 : index
    %get3A_1 = vector.load %arg0[%get3A, %get3A_0] : memref<80x128xf32, #tpu.memory_space<vmem>>, vector<80x128xf32>
    %get3A_2 = arith.constant 0 : index
    %get3A_3 = arith.constant 0 : index
    %get3A_4 = vector.load %arg1[%get3A_2, %get3A_3] : memref<80x128xf32, #tpu.memory_space<vmem>>, vector<80x128xf32>
    %iota3A = tpu.iota {dimensions = array<i32: 0>} : vector<80x128xi32>
    %mul3A = arith.constant 128 : i32
    %mul3A_5 = vector.broadcast %mul3A : i32 to vector<80x128xi32>
    %mul3A_6 = arith.muli %iota3A, %mul3A_5 : vector<80x128xi32>
    %iota3A_7 = tpu.iota {dimensions = array<i32: 1>} : vector<80x128xi32>
    %add3A = arith.addi %mul3A_6, %iota3A_7 : vector<80x128xi32>
    %lt3A = arith.constant 10000 : i32
    %lt3A_8 = vector.broadcast %lt3A : i32 to vector<80x128xi32>
    %lt3A_9 = arith.cmpi slt, %add3A, %lt3A_8 : vector<80x128xi32>
    %get3A_10 = arith.constant 0 : index
    %get3A_11 = memref.load %arg2[%get3A_10] : memref<10000xf32, #tpu.memory_space<smem>>
    %get3A_12 = arith.constant 0 : index
    %get3A_13 = memref.load %arg3[%get3A_12] : memref<10000xf32, #tpu.memory_space<smem>>
    %sub3A = vector.broadcast %get3A_11 : f32 to vector<80x128xf32>
    %sub3A_14 = arith.subf %get3A_1, %sub3A : vector<80x128xf32>
    %sub3A_15 = vector.broadcast %get3A_13 : f32 to vector<80x128xf32>
    %sub3A_16 = arith.subf %get3A_4, %sub3A_15 : vector<80x128xf32>
    %mul3A_17 = arith.mulf %sub3A_14, %sub3A_14 : vector<80x128xf32>
    %mul3A_18 = arith.mulf %sub3A_16, %sub3A_16 : vector<80x128xf32>
    %add3A_19 = arith.addf %mul3A_17, %mul3A_18 : vector<80x128xf32>
    %jit3A = arith.constant -1.000000e+00 : f32
    %broadcast_in_dim3A = vector.broadcast %jit3A : f32 to vector<80x128xf32>
    %select_n3A = arith.select %lt3A_9, %add3A_19, %broadcast_in_dim3A : vector<80x128xi1>, vector<80x128xf32>
    %swap3A = arith.constant 0 : i32
    %swap3A_20 = arith.constant 0 : index
    %swap3A_21 = memref.load %arg4[%swap3A_20] : memref<5000xi32, #tpu.memory_space<smem>>
    memref.store %swap3A, %arg4[%swap3A_20] : memref<5000xi32, #tpu.memory_space<smem>>
    %scan3A = arith.constant 1 : i32
    %scan3A_22 = arith.constant 4999 : i32
    %scan3A_23 = arith.addi %scan3A, %scan3A_22 : i32
    %scan3A_24 = arith.constant 1 : i32
    %scan3A_25 = scf.for %scan3A_27 = %scan3A to %scan3A_23 step %scan3A_24 iter_args(%scan3A_28 = %select_n3A) -> (vector<80x128xf32>)  : i32 {
      %reshape3A = vector.shape_cast %scan3A_28 : vector<80x128xf32> to vector<10240xf32>
      %argmax3A = vector.shape_cast %reshape3A : vector<10240xf32> to vector<1x10240xf32>
      %argmax3A_29 = tpu.reduce_index %argmax3A {axis = 1 : i32, kind = #tpu.reduction_kind<arg_max>} : vector<1x10240xf32> -> vector<1xi32>
      %argmax3A_30 = vector.extract %argmax3A_29[0] : i32 from vector<1xi32>
      %get3A_31 = arith.index_cast %argmax3A_30 : i32 to index
      %get3A_32 = memref.load %arg2[%get3A_31] : memref<10000xf32, #tpu.memory_space<smem>>
      %get3A_33 = arith.index_cast %argmax3A_30 : i32 to index
      %get3A_34 = memref.load %arg3[%get3A_33] : memref<10000xf32, #tpu.memory_space<smem>>
      %sub3A_35 = vector.broadcast %get3A_32 : f32 to vector<80x128xf32>
      %sub3A_36 = arith.subf %get3A_1, %sub3A_35 : vector<80x128xf32>
      %sub3A_37 = vector.broadcast %get3A_34 : f32 to vector<80x128xf32>
      %sub3A_38 = arith.subf %get3A_4, %sub3A_37 : vector<80x128xf32>
      %mul3A_39 = arith.mulf %sub3A_36, %sub3A_36 : vector<80x128xf32>
      %mul3A_40 = arith.mulf %sub3A_38, %sub3A_38 : vector<80x128xf32>
      %add3A_41 = arith.addf %mul3A_39, %mul3A_40 : vector<80x128xf32>
      %swap3A_42 = arith.index_cast %scan3A_27 : i32 to index
      %swap3A_43 = memref.load %arg4[%swap3A_42] : memref<5000xi32, #tpu.memory_space<smem>>
      memref.store %argmax3A_30, %arg4[%swap3A_42] : memref<5000xi32, #tpu.memory_space<smem>>
      %min3A = arith.minimumf %scan3A_28, %add3A_41 : vector<80x128xf32>
      scf.yield %min3A : vector<80x128xf32>
    }
    %scan3A_26 = arith.constant 4999 : i32
    return
  }
}

module attributes {stable_mosaic.version = 14 : i64} {
  func.func @_combine_body(%arg0: i32, %arg1: memref<2x2000x32xf32, #tpu.memory_space<vmem>>, %arg2: memref<2000x1xf32, #tpu.memory_space<vmem>>, %arg3: memref<2000x1xf32, #tpu.memory_space<vmem>>, %arg4: memref<2000x1xf32, #tpu.memory_space<vmem>>, %arg5: memref<25x32xf32, #tpu.memory_space<vmem>>, %arg6: memref<1x32xf32, #tpu.memory_space<vmem>>, %arg7: memref<1x32xf32, #tpu.memory_space<vmem>>, %arg8: memref<2000x48xf32, #tpu.memory_space<vmem>>) attributes {dimension_semantics = [#tpu.dimension_semantics<arbitrary>], iteration_bounds = array<i64: 5>, scalar_prefetch = 0 : i64, scratch_operands = 0 : i64, tpu.core_type = #tpu.core_type<tc>, window_params = [{transform_indices = @transform_0, window_bounds = array<i64: 2, 2000, 32>}, {transform_indices = @transform_1, window_bounds = array<i64: 2000, 1>}, {transform_indices = @transform_2, window_bounds = array<i64: 2000, 1>}, {transform_indices = @transform_3, window_bounds = array<i64: 2000, 1>}, {pipeline_mode = #tpu.pipeline_mode<synchronous>, transform_indices = @transform_4, window_bounds = array<i64: 25, 32>}, {pipeline_mode = #tpu.pipeline_mode<synchronous>, transform_indices = @transform_5, window_bounds = array<i64: 1, 32>}, {pipeline_mode = #tpu.pipeline_mode<synchronous>, transform_indices = @transform_6, window_bounds = array<i64: 1, 32>}, {transform_indices = @transform_7, window_bounds = array<i64: 2000, 48>}]} {
    %get3A = arith.constant 0 : index
    %get3A_0 = arith.constant 0 : index
    %get3A_1 = arith.constant 0 : index
    %get3A_2 = vector.load %arg1[%get3A, %get3A_0, %get3A_1] : memref<2x2000x32xf32, #tpu.memory_space<vmem>>, vector<1x2000x32xf32>
    %get3A_3 = vector.shape_cast %get3A_2 : vector<1x2000x32xf32> to vector<2000x32xf32>
    %get3A_4 = arith.constant 1 : index
    %get3A_5 = arith.constant 0 : index
    %get3A_6 = arith.constant 0 : index
    %get3A_7 = vector.load %arg1[%get3A_4, %get3A_5, %get3A_6] : memref<2x2000x32xf32, #tpu.memory_space<vmem>>, vector<1x2000x32xf32>
    %get3A_8 = vector.shape_cast %get3A_7 : vector<1x2000x32xf32> to vector<2000x32xf32>
    %add3A = arith.addf %get3A_3, %get3A_8 : vector<2000x32xf32>
    %slice3A = vector.extract_strided_slice %add3A {offsets = [0, 0], sizes = [2000, 25], strides = [1, 1]} : vector<2000x32xf32> to vector<2000x25xf32>
    %slice3A_9 = vector.extract_strided_slice %add3A {offsets = [0, 25], sizes = [2000, 1], strides = [1, 1]} : vector<2000x32xf32> to vector<2000x1xf32>
    %get3A_10 = arith.constant 0 : index
    %get3A_11 = arith.constant 0 : index
    %get3A_12 = vector.load %arg5[%get3A_10, %get3A_11] : memref<25x32xf32, #tpu.memory_space<vmem>>, vector<25x32xf32>
    %dot_general3A = arith.constant dense<0.000000e+00> : vector<2000x32xf32>
    %dot_general3A_13 = tpu.matmul %slice3A, %get3A_12, %dot_general3A {dimension_numbers = #tpu.dot_dimension_numbers<[1], [0], [0], [1], [0, 0, 1, 1], [], []>, precision = #tpu.contract_precision<fp32>, transpose_lhs_hint = false} : vector<2000x25xf32>, vector<25x32xf32>, vector<2000x32xf32> -> vector<2000x32xf32>
    %max3A = arith.constant 1.000000e+00 : f32
    %max3A_14 = vector.broadcast %max3A : f32 to vector<2000x1xf32>
    %max3A_15 = arith.maximumf %slice3A_9, %max3A_14 : vector<2000x1xf32>
    %div3A = vector.broadcast %max3A_15 : vector<2000x1xf32> to vector<2000x32xf32>
    %div3A_16 = arith.divf %dot_general3A_13, %div3A : vector<2000x32xf32>
    %get3A_17 = arith.constant 0 : index
    %get3A_18 = arith.constant 0 : index
    %get3A_19 = vector.load %arg2[%get3A_17, %get3A_18] : memref<2000x1xf32, #tpu.memory_space<vmem>>, vector<2000x1xf32>
    %get3A_20 = arith.constant 0 : index
    %get3A_21 = arith.constant 0 : index
    %get3A_22 = vector.load %arg6[%get3A_20, %get3A_21] : memref<1x32xf32, #tpu.memory_space<vmem>>, vector<1x32xf32>
    %mul3A = vector.broadcast %get3A_19 : vector<2000x1xf32> to vector<2000x32xf32>
    %mul3A_23 = vector.broadcast %get3A_22 : vector<1x32xf32> to vector<2000x32xf32>
    %mul3A_24 = arith.mulf %mul3A, %mul3A_23 : vector<2000x32xf32>
    %add3A_25 = arith.addf %div3A_16, %mul3A_24 : vector<2000x32xf32>
    %get3A_26 = arith.constant 0 : index
    %get3A_27 = arith.constant 0 : index
    %get3A_28 = vector.load %arg7[%get3A_26, %get3A_27] : memref<1x32xf32, #tpu.memory_space<vmem>>, vector<1x32xf32>
    %add3A_29 = vector.broadcast %get3A_28 : vector<1x32xf32> to vector<2000x32xf32>
    %add3A_30 = arith.addf %add3A_25, %add3A_29 : vector<2000x32xf32>
    %gt3A = arith.constant 0.000000e+00 : f32
    %gt3A_31 = vector.broadcast %gt3A : f32 to vector<2000x32xf32>
    %gt3A_32 = arith.cmpf ogt, %add3A_30, %gt3A_31 : vector<2000x32xf32>
    %exp3A = math.exp %add3A_30 : vector<2000x32xf32>
    %sub3A = arith.constant 1.000000e+00 : f32
    %sub3A_33 = vector.broadcast %sub3A : f32 to vector<2000x32xf32>
    %sub3A_34 = arith.subf %exp3A, %sub3A_33 : vector<2000x32xf32>
    %select_n3A = arith.select %gt3A_32, %add3A_30, %sub3A_34 : vector<2000x32xi1>, vector<2000x32xf32>
    %swap3A = arith.constant 0 : index
    %swap3A_35 = arith.constant 0 : index
    %swap3A_36 = vector.load %arg8[%swap3A, %swap3A_35] : memref<2000x48xf32, #tpu.memory_space<vmem>>, vector<2000x32xf32>
    tpu.vector_store %arg8[%swap3A, %swap3A_35], %select_n3A {strides = array<i32>} : memref<2000x48xf32, #tpu.memory_space<vmem>>, vector<2000x32xf32>,
    %get3A_37 = arith.constant 0 : index
    %get3A_38 = arith.constant 0 : index
    %get3A_39 = vector.load %arg3[%get3A_37, %get3A_38] : memref<2000x1xf32, #tpu.memory_space<vmem>>, vector<2000x1xf32>
    %swap3A_40 = arith.constant 0 : index
    %swap3A_41 = arith.constant 32 : index
    %swap3A_42 = vector.load %arg8[%swap3A_40, %swap3A_41] : memref<2000x48xf32, #tpu.memory_space<vmem>>, vector<2000x1xf32>
    tpu.vector_store %arg8[%swap3A_40, %swap3A_41], %get3A_39 {strides = array<i32>} : memref<2000x48xf32, #tpu.memory_space<vmem>>, vector<2000x1xf32>,
    %get3A_43 = arith.constant 0 : index
    %get3A_44 = arith.constant 0 : index
    %get3A_45 = vector.load %arg4[%get3A_43, %get3A_44] : memref<2000x1xf32, #tpu.memory_space<vmem>>, vector<2000x1xf32>
    %swap3A_46 = arith.constant 0 : index
    %swap3A_47 = arith.constant 33 : index
    %swap3A_48 = vector.load %arg8[%swap3A_46, %swap3A_47] : memref<2000x48xf32, #tpu.memory_space<vmem>>, vector<2000x1xf32>
    tpu.vector_store %arg8[%swap3A_46, %swap3A_47], %get3A_45 {strides = array<i32>} : memref<2000x48xf32, #tpu.memory_space<vmem>>, vector<2000x1xf32>,
    %broadcast_in_dim3A = arith.constant 0.000000e+00 : f32
    %broadcast_in_dim3A_49 = vector.broadcast %broadcast_in_dim3A : f32 to vector<2000x14xf32>
    %swap3A_50 = arith.constant 0 : index
    %swap3A_51 = arith.constant 34 : index
    %swap3A_52 = vector.load %arg8[%swap3A_50, %swap3A_51] : memref<2000x48xf32, #tpu.memory_space<vmem>>, vector<2000x14xf32>
    tpu.vector_store %arg8[%swap3A_50, %swap3A_51], %broadcast_in_dim3A_49 {strides = array<i32>} : memref<2000x48xf32, #tpu.memory_space<vmem>>, vector<2000x14xf32>,
    return
  }
  func.func @transform_0(%arg0: i32) -> (i32, i32, i32) {
    %c0_i32 = arith.constant 0 : i32
    %c0_i32_0 = arith.constant 0 : i32
    %c0_i32_1 = arith.constant 0 : i32
    return %c0_i32, %arg0, %c0_i32_0 : i32, i32, i32
  }
  func.func @transform_1(%arg0: i32) -> (i32, i32) {
    %c0_i32 = arith.constant 0 : i32
    %c0_i32_0 = arith.constant 0 : i32
    return %arg0, %c0_i32 : i32, i32
  }
  func.func @transform_2(%arg0: i32) -> (i32, i32) {
    %c0_i32 = arith.constant 0 : i32
    %c0_i32_0 = arith.constant 0 : i32
    return %arg0, %c0_i32 : i32, i32
  }
  func.func @transform_3(%arg0: i32) -> (i32, i32) {
    %c0_i32 = arith.constant 0 : i32
    %c0_i32_0 = arith.constant 0 : i32
    return %arg0, %c0_i32 : i32, i32
  }
  func.func @transform_4(%arg0: i32) -> (i32, i32) {
    %c0_i32 = arith.constant 0 : i32
    %c0_i32_0 = arith.constant 0 : i32
    %c0_i32_1 = arith.constant 0 : i32
    return %c0_i32, %c0_i32_0 : i32, i32
  }
  func.func @transform_5(%arg0: i32) -> (i32, i32) {
    %c0_i32 = arith.constant 0 : i32
    %c0_i32_0 = arith.constant 0 : i32
    %c0_i32_1 = arith.constant 0 : i32
    return %c0_i32, %c0_i32_0 : i32, i32
  }
  func.func @transform_6(%arg0: i32) -> (i32, i32) {
    %c0_i32 = arith.constant 0 : i32
    %c0_i32_0 = arith.constant 0 : i32
    %c0_i32_1 = arith.constant 0 : i32
    return %c0_i32, %c0_i32_0 : i32, i32
  }
  func.func @transform_7(%arg0: i32) -> (i32, i32) {
    %c0_i32 = arith.constant 0 : i32
    %c0_i32_0 = arith.constant 0 : i32
    return %arg0, %c0_i32 : i32, i32
  }
}

module attributes {stable_mosaic.version = 14 : i64} {
  func.func @_knn_body(%arg0: i32, %arg1: memref<400x1xf32, #tpu.memory_space<vmem>>, %arg2: memref<400x1xf32, #tpu.memory_space<vmem>>, %arg3: memref<1x5000xf32, #tpu.memory_space<vmem>>, %arg4: memref<1x5000xf32, #tpu.memory_space<vmem>>, %arg5: memref<5000x32xf32, #tpu.memory_space<vmem>>, %arg6: memref<400x32xf32, #tpu.memory_space<vmem>>) attributes {dimension_semantics = [#tpu.dimension_semantics<arbitrary>], iteration_bounds = array<i64: 25>, scalar_prefetch = 0 : i64, scratch_operands = 0 : i64, tpu.core_type = #tpu.core_type<tc>, window_params = [{transform_indices = @transform_0, window_bounds = array<i64: 400, 1>}, {transform_indices = @transform_1, window_bounds = array<i64: 400, 1>}, {pipeline_mode = #tpu.pipeline_mode<synchronous>, transform_indices = @transform_2, window_bounds = array<i64: 1, 5000>}, {pipeline_mode = #tpu.pipeline_mode<synchronous>, transform_indices = @transform_3, window_bounds = array<i64: 1, 5000>}, {pipeline_mode = #tpu.pipeline_mode<synchronous>, transform_indices = @transform_4, window_bounds = array<i64: 5000, 32>}, {transform_indices = @transform_5, window_bounds = array<i64: 400, 32>}]} {
    %get3A = arith.constant 0 : index
    %get3A_0 = arith.constant 0 : index
    %get3A_1 = vector.load %arg1[%get3A, %get3A_0] : memref<400x1xf32, #tpu.memory_space<vmem>>, vector<400x1xf32>
    %get3A_2 = arith.constant 0 : index
    %get3A_3 = arith.constant 0 : index
    %get3A_4 = vector.load %arg2[%get3A_2, %get3A_3] : memref<400x1xf32, #tpu.memory_space<vmem>>, vector<400x1xf32>
    %get3A_5 = arith.constant 0 : index
    %get3A_6 = arith.constant 0 : index
    %get3A_7 = vector.load %arg3[%get3A_5, %get3A_6] : memref<1x5000xf32, #tpu.memory_space<vmem>>, vector<1x5000xf32>
    %get3A_8 = arith.constant 0 : index
    %get3A_9 = arith.constant 0 : index
    %get3A_10 = vector.load %arg4[%get3A_8, %get3A_9] : memref<1x5000xf32, #tpu.memory_space<vmem>>, vector<1x5000xf32>
    %mul3A = arith.mulf %get3A_7, %get3A_7 : vector<1x5000xf32>
    %mul3A_11 = arith.mulf %get3A_10, %get3A_10 : vector<1x5000xf32>
    %add3A = arith.addf %mul3A, %mul3A_11 : vector<1x5000xf32>
    %mul3A_12 = arith.mulf %get3A_1, %get3A_1 : vector<400x1xf32>
    %mul3A_13 = arith.mulf %get3A_4, %get3A_4 : vector<400x1xf32>
    %add3A_14 = arith.addf %mul3A_12, %mul3A_13 : vector<400x1xf32>
    %convert_element_type3A = arith.truncf %get3A_1 : vector<400x1xf32> to vector<400x1xbf16>
    %convert_element_type3A_15 = arith.extf %convert_element_type3A : vector<400x1xbf16> to vector<400x1xf32>
    %convert_element_type3A_16 = arith.truncf %get3A_4 : vector<400x1xf32> to vector<400x1xbf16>
    %convert_element_type3A_17 = arith.extf %convert_element_type3A_16 : vector<400x1xbf16> to vector<400x1xf32>
    %convert_element_type3A_18 = arith.truncf %get3A_7 : vector<1x5000xf32> to vector<1x5000xbf16>
    %convert_element_type3A_19 = arith.extf %convert_element_type3A_18 : vector<1x5000xbf16> to vector<1x5000xf32>
    %convert_element_type3A_20 = arith.truncf %get3A_10 : vector<1x5000xf32> to vector<1x5000xbf16>
    %convert_element_type3A_21 = arith.extf %convert_element_type3A_20 : vector<1x5000xbf16> to vector<1x5000xf32>
    %mul3A_22 = vector.broadcast %convert_element_type3A_15 : vector<400x1xf32> to vector<400x5000xf32>
    %mul3A_23 = vector.broadcast %convert_element_type3A_19 : vector<1x5000xf32> to vector<400x5000xf32>
    %mul3A_24 = arith.mulf %mul3A_22, %mul3A_23 : vector<400x5000xf32>
    %mul3A_25 = vector.broadcast %convert_element_type3A_17 : vector<400x1xf32> to vector<400x5000xf32>
    %mul3A_26 = vector.broadcast %convert_element_type3A_21 : vector<1x5000xf32> to vector<400x5000xf32>
    %mul3A_27 = arith.mulf %mul3A_25, %mul3A_26 : vector<400x5000xf32>
    %add3A_28 = arith.addf %mul3A_24, %mul3A_27 : vector<400x5000xf32>
    %add3A_29 = vector.broadcast %add3A_14 : vector<400x1xf32> to vector<400x5000xf32>
    %add3A_30 = vector.broadcast %add3A : vector<1x5000xf32> to vector<400x5000xf32>
    %add3A_31 = arith.addf %add3A_29, %add3A_30 : vector<400x5000xf32>
    %mul3A_32 = arith.constant 2.000000e+00 : f32
    %mul3A_33 = vector.broadcast %mul3A_32 : f32 to vector<400x5000xf32>
    %mul3A_34 = arith.mulf %mul3A_33, %add3A_28 : vector<400x5000xf32>
    %sub3A = arith.subf %add3A_31, %mul3A_34 : vector<400x5000xf32>
    %iota3A = tpu.iota {dimensions = array<i32: 1>} : vector<400x5000xi32>
    %broadcast_in_dim3A = arith.constant 0.000000e+00 : f32
    %broadcast_in_dim3A_35 = vector.broadcast %broadcast_in_dim3A : f32 to vector<400x5000xf32>
    %broadcast_in_dim3A_36 = arith.constant 0.000000e+00 : f32
    %broadcast_in_dim3A_37 = vector.broadcast %broadcast_in_dim3A_36 : f32 to vector<400x1xf32>
    %reduce_min3A = arith.constant dense<0x7F800000> : vector<400xf32>
    %reduce_min3A_38 = vector.multi_reduction <minimumf>, %sub3A, %reduce_min3A [1] : vector<400x5000xf32> to vector<400xf32>
    %broadcast_in_dim3A_39 = vector.shape_cast %reduce_min3A_38 : vector<400xf32> to vector<400x1xf32>
    %eq3A = vector.broadcast %broadcast_in_dim3A_39 : vector<400x1xf32> to vector<400x5000xf32>
    %eq3A_40 = arith.cmpf oeq, %sub3A, %eq3A : vector<400x5000xf32>
    %jit3A = arith.constant 1073741824 : i32
    %broadcast_in_dim3A_41 = vector.broadcast %jit3A : i32 to vector<400x5000xi32>
    %select_n3A = arith.select %eq3A_40, %iota3A, %broadcast_in_dim3A_41 : vector<400x5000xi1>, vector<400x5000xi32>
    %reduce_min3A_42 = arith.constant dense<2147483647> : vector<400xi32>
    %reduce_min3A_43 = vector.multi_reduction <minsi>, %select_n3A, %reduce_min3A_42 [1] : vector<400x5000xi32> to vector<400xi32>
    %broadcast_in_dim3A_44 = vector.shape_cast %reduce_min3A_43 : vector<400xi32> to vector<400x1xi32>
    %max3A = arith.constant 1.000000e-16 : f32
    %max3A_45 = vector.broadcast %max3A : f32 to vector<400x1xf32>
    %max3A_46 = arith.maximumf %broadcast_in_dim3A_39, %max3A_45 : vector<400x1xf32>
    %div3A = arith.constant 1.000000e+00 : f32
    %div3A_47 = vector.broadcast %div3A : f32 to vector<400x1xf32>
    %div3A_48 = arith.divf %div3A_47, %max3A_46 : vector<400x1xf32>
    %eq3A_49 = vector.broadcast %broadcast_in_dim3A_44 : vector<400x1xi32> to vector<400x5000xi32>
    %eq3A_50 = arith.cmpi eq, %iota3A, %eq3A_49 : vector<400x5000xi32>
    %jit3A_51 = arith.constant 0.000000e+00 : f32
    %broadcast_in_dim3A_52 = vector.shape_cast %div3A_48 : vector<400x1xf32> to vector<400x1xf32>
    %broadcast_in_dim3A_53 = vector.broadcast %broadcast_in_dim3A_52 : vector<400x1xf32> to vector<400x5000xf32>
    %broadcast_in_dim3A_54 = vector.broadcast %jit3A_51 : f32 to vector<400x5000xf32>
    %select_n3A_55 = arith.select %eq3A_50, %broadcast_in_dim3A_53, %broadcast_in_dim3A_54 : vector<400x5000xi1>, vector<400x5000xf32>
    %add3A_56 = arith.addf %broadcast_in_dim3A_35, %select_n3A_55 : vector<400x5000xf32>
    %add3A_57 = arith.addf %broadcast_in_dim3A_37, %div3A_48 : vector<400x1xf32>
    %jit3A_58 = arith.constant 0x7F800000 : f32
    %broadcast_in_dim3A_59 = vector.broadcast %jit3A_58 : f32 to vector<400x5000xf32>
    %select_n3A_60 = arith.select %eq3A_50, %broadcast_in_dim3A_59, %sub3A : vector<400x5000xi1>, vector<400x5000xf32>
    %reduce_min3A_61 = arith.constant dense<0x7F800000> : vector<400xf32>
    %reduce_min3A_62 = vector.multi_reduction <minimumf>, %select_n3A_60, %reduce_min3A_61 [1] : vector<400x5000xf32> to vector<400xf32>
    %broadcast_in_dim3A_63 = vector.shape_cast %reduce_min3A_62 : vector<400xf32> to vector<400x1xf32>
    %eq3A_64 = vector.broadcast %broadcast_in_dim3A_63 : vector<400x1xf32> to vector<400x5000xf32>
    %eq3A_65 = arith.cmpf oeq, %select_n3A_60, %eq3A_64 : vector<400x5000xf32>
    %jit3A_66 = arith.constant 1073741824 : i32
    %broadcast_in_dim3A_67 = vector.broadcast %jit3A_66 : i32 to vector<400x5000xi32>
    %select_n3A_68 = arith.select %eq3A_65, %iota3A, %broadcast_in_dim3A_67 : vector<400x5000xi1>, vector<400x5000xi32>
    %reduce_min3A_69 = arith.constant dense<2147483647> : vector<400xi32>
    %reduce_min3A_70 = vector.multi_reduction <minsi>, %select_n3A_68, %reduce_min3A_69 [1] : vector<400x5000xi32> to vector<400xi32>
    %broadcast_in_dim3A_71 = vector.shape_cast %reduce_min3A_70 : vector<400xi32> to vector<400x1xi32>
    %max3A_72 = arith.constant 1.000000e-16 : f32
    %max3A_73 = vector.broadcast %max3A_72 : f32 to vector<400x1xf32>
    %max3A_74 = arith.maximumf %broadcast_in_dim3A_63, %max3A_73 : vector<400x1xf32>
    %div3A_75 = arith.constant 1.000000e+00 : f32
    %div3A_76 = vector.broadcast %div3A_75 : f32 to vector<400x1xf32>
    %div3A_77 = arith.divf %div3A_76, %max3A_74 : vector<400x1xf32>
    %eq3A_78 = vector.broadcast %broadcast_in_dim3A_71 : vector<400x1xi32> to vector<400x5000xi32>
    %eq3A_79 = arith.cmpi eq, %iota3A, %eq3A_78 : vector<400x5000xi32>
    %jit3A_80 = arith.constant 0.000000e+00 : f32
    %broadcast_in_dim3A_81 = vector.shape_cast %div3A_77 : vector<400x1xf32> to vector<400x1xf32>
    %broadcast_in_dim3A_82 = vector.broadcast %broadcast_in_dim3A_81 : vector<400x1xf32> to vector<400x5000xf32>
    %broadcast_in_dim3A_83 = vector.broadcast %jit3A_80 : f32 to vector<400x5000xf32>
    %select_n3A_84 = arith.select %eq3A_79, %broadcast_in_dim3A_82, %broadcast_in_dim3A_83 : vector<400x5000xi1>, vector<400x5000xf32>
    %add3A_85 = arith.addf %add3A_56, %select_n3A_84 : vector<400x5000xf32>
    %add3A_86 = arith.addf %add3A_57, %div3A_77 : vector<400x1xf32>
    %jit3A_87 = arith.constant 0x7F800000 : f32
    %broadcast_in_dim3A_88 = vector.broadcast %jit3A_87 : f32 to vector<400x5000xf32>
    %select_n3A_89 = arith.select %eq3A_79, %broadcast_in_dim3A_88, %select_n3A_60 : vector<400x5000xi1>, vector<400x5000xf32>
    %reduce_min3A_90 = arith.constant dense<0x7F800000> : vector<400xf32>
    %reduce_min3A_91 = vector.multi_reduction <minimumf>, %select_n3A_89, %reduce_min3A_90 [1] : vector<400x5000xf32> to vector<400xf32>
    %broadcast_in_dim3A_92 = vector.shape_cast %reduce_min3A_91 : vector<400xf32> to vector<400x1xf32>
    %eq3A_93 = vector.broadcast %broadcast_in_dim3A_92 : vector<400x1xf32> to vector<400x5000xf32>
    %eq3A_94 = arith.cmpf oeq, %select_n3A_89, %eq3A_93 : vector<400x5000xf32>
    %jit3A_95 = arith.constant 1073741824 : i32
    %broadcast_in_dim3A_96 = vector.broadcast %jit3A_95 : i32 to vector<400x5000xi32>
    %select_n3A_97 = arith.select %eq3A_94, %iota3A, %broadcast_in_dim3A_96 : vector<400x5000xi1>, vector<400x5000xi32>
    %reduce_min3A_98 = arith.constant dense<2147483647> : vector<400xi32>
    %reduce_min3A_99 = vector.multi_reduction <minsi>, %select_n3A_97, %reduce_min3A_98 [1] : vector<400x5000xi32> to vector<400xi32>
    %broadcast_in_dim3A_100 = vector.shape_cast %reduce_min3A_99 : vector<400xi32> to vector<400x1xi32>
    %max3A_101 = arith.constant 1.000000e-16 : f32
    %max3A_102 = vector.broadcast %max3A_101 : f32 to vector<400x1xf32>
    %max3A_103 = arith.maximumf %broadcast_in_dim3A_92, %max3A_102 : vector<400x1xf32>
    %div3A_104 = arith.constant 1.000000e+00 : f32
    %div3A_105 = vector.broadcast %div3A_104 : f32 to vector<400x1xf32>
    %div3A_106 = arith.divf %div3A_105, %max3A_103 : vector<400x1xf32>
    %eq3A_107 = vector.broadcast %broadcast_in_dim3A_100 : vector<400x1xi32> to vector<400x5000xi32>
    %eq3A_108 = arith.cmpi eq, %iota3A, %eq3A_107 : vector<400x5000xi32>
    %jit3A_109 = arith.constant 0.000000e+00 : f32
    %broadcast_in_dim3A_110 = vector.shape_cast %div3A_106 : vector<400x1xf32> to vector<400x1xf32>
    %broadcast_in_dim3A_111 = vector.broadcast %broadcast_in_dim3A_110 : vector<400x1xf32> to vector<400x5000xf32>
    %broadcast_in_dim3A_112 = vector.broadcast %jit3A_109 : f32 to vector<400x5000xf32>
    %select_n3A_113 = arith.select %eq3A_108, %broadcast_in_dim3A_111, %broadcast_in_dim3A_112 : vector<400x5000xi1>, vector<400x5000xf32>
    %add3A_114 = arith.addf %add3A_85, %select_n3A_113 : vector<400x5000xf32>
    %add3A_115 = arith.addf %add3A_86, %div3A_106 : vector<400x1xf32>
    %get3A_116 = arith.constant 0 : index
    %get3A_117 = arith.constant 0 : index
    %get3A_118 = vector.load %arg5[%get3A_116, %get3A_117] : memref<5000x32xf32, #tpu.memory_space<vmem>>, vector<5000x32xf32>
    %dot_general3A = arith.constant dense<0.000000e+00> : vector<400x32xf32>
    %dot_general3A_119 = tpu.matmul %add3A_114, %get3A_118, %dot_general3A {dimension_numbers = #tpu.dot_dimension_numbers<[1], [0], [0], [1], [0, 0, 1, 1], [], []>, precision = #tpu.contract_precision<fp32>, transpose_lhs_hint = false} : vector<400x5000xf32>, vector<5000x32xf32>, vector<400x32xf32> -> vector<400x32xf32>
    %div3A_120 = vector.broadcast %add3A_115 : vector<400x1xf32> to vector<400x32xf32>
    %div3A_121 = arith.divf %dot_general3A_119, %div3A_120 : vector<400x32xf32>
    %swap3A = arith.constant 0 : index
    %swap3A_122 = arith.constant 0 : index
    %swap3A_123 = vector.load %arg6[%swap3A, %swap3A_122] : memref<400x32xf32, #tpu.memory_space<vmem>>, vector<400x32xf32>
    tpu.vector_store %arg6[%swap3A, %swap3A_122], %div3A_121 {strides = array<i32>} : memref<400x32xf32, #tpu.memory_space<vmem>>, vector<400x32xf32>,
    return
  }
  func.func @transform_0(%arg0: i32) -> (i32, i32) {
    %c0_i32 = arith.constant 0 : i32
    %c0_i32_0 = arith.constant 0 : i32
    return %arg0, %c0_i32 : i32, i32
  }
  func.func @transform_1(%arg0: i32) -> (i32, i32) {
    %c0_i32 = arith.constant 0 : i32
    %c0_i32_0 = arith.constant 0 : i32
    return %arg0, %c0_i32 : i32, i32
  }
  func.func @transform_2(%arg0: i32) -> (i32, i32) {
    %c0_i32 = arith.constant 0 : i32
    %c0_i32_0 = arith.constant 0 : i32
    %c0_i32_1 = arith.constant 0 : i32
    return %c0_i32, %c0_i32_0 : i32, i32
  }
  func.func @transform_3(%arg0: i32) -> (i32, i32) {
    %c0_i32 = arith.constant 0 : i32
    %c0_i32_0 = arith.constant 0 : i32
    %c0_i32_1 = arith.constant 0 : i32
    return %c0_i32, %c0_i32_0 : i32, i32
  }
  func.func @transform_4(%arg0: i32) -> (i32, i32) {
    %c0_i32 = arith.constant 0 : i32
    %c0_i32_0 = arith.constant 0 : i32
    %c0_i32_1 = arith.constant 0 : i32
    return %c0_i32, %c0_i32_0 : i32, i32
  }
  func.func @transform_5(%arg0: i32) -> (i32, i32) {
    %c0_i32 = arith.constant 0 : i32
    %c0_i32_0 = arith.constant 0 : i32
    return %arg0, %c0_i32 : i32, i32
  }
}

module attributes {stable_mosaic.version = 14 : i64} {
  func.func @_mlp_body(%arg0: memref<10000x32xf32, #tpu.memory_space<vmem>>, %arg1: memref<10000x1xf32, #tpu.memory_space<vmem>>, %arg2: memref<32x32xf32, #tpu.memory_space<vmem>>, %arg3: memref<1x32xf32, #tpu.memory_space<vmem>>, %arg4: memref<1x32xf32, #tpu.memory_space<vmem>>, %arg5: memref<1x32xf32, #tpu.memory_space<vmem>>, %arg6: memref<1x32xf32, #tpu.memory_space<vmem>>, %arg7: memref<32x32xf32, #tpu.memory_space<vmem>>, %arg8: memref<1x32xf32, #tpu.memory_space<vmem>>, %arg9: memref<1x32xf32, #tpu.memory_space<vmem>>, %arg10: memref<1x32xf32, #tpu.memory_space<vmem>>, %arg11: memref<32x1xf32, #tpu.memory_space<vmem>>, %arg12: memref<1x1xf32, #tpu.memory_space<vmem>>, %arg13: memref<1x1xf32, #tpu.memory_space<vmem>>, %arg14: memref<1x1xf32, #tpu.memory_space<vmem>>, %arg15: memref<10000x1xf32, #tpu.memory_space<vmem>>) attributes {dimension_semantics = [], scalar_prefetch = 0 : i64, scratch_operands = 0 : i64, tpu.core_type = #tpu.core_type<tc>} {
    %get3A = arith.constant 0 : index
    %get3A_0 = arith.constant 0 : index
    %get3A_1 = vector.load %arg0[%get3A, %get3A_0] : memref<10000x32xf32, #tpu.memory_space<vmem>>, vector<10000x32xf32>
    %get3A_2 = arith.constant 0 : index
    %get3A_3 = arith.constant 0 : index
    %get3A_4 = vector.load %arg1[%get3A_2, %get3A_3] : memref<10000x1xf32, #tpu.memory_space<vmem>>, vector<10000x1xf32>
    %convert_element_type3A = arith.truncf %get3A_4 : vector<10000x1xf32> to vector<10000x1xbf16>
    %convert_element_type3A_5 = arith.extf %convert_element_type3A : vector<10000x1xbf16> to vector<10000x1xf32>
    %get3A_6 = arith.constant 0 : index
    %get3A_7 = arith.constant 0 : index
    %get3A_8 = vector.load %arg3[%get3A_6, %get3A_7] : memref<1x32xf32, #tpu.memory_space<vmem>>, vector<1x32xf32>
    %convert_element_type3A_9 = arith.truncf %get3A_8 : vector<1x32xf32> to vector<1x32xbf16>
    %convert_element_type3A_10 = arith.extf %convert_element_type3A_9 : vector<1x32xbf16> to vector<1x32xf32>
    %get3A_11 = arith.constant 0 : index
    %get3A_12 = arith.constant 0 : index
    %get3A_13 = vector.load %arg2[%get3A_11, %get3A_12] : memref<32x32xf32, #tpu.memory_space<vmem>>, vector<32x32xf32>
    %convert_element_type3A_14 = arith.truncf %get3A_1 : vector<10000x32xf32> to vector<10000x32xbf16>
    %convert_element_type3A_15 = arith.truncf %get3A_13 : vector<32x32xf32> to vector<32x32xbf16>
    %dot_general3A = arith.constant dense<0.000000e+00> : vector<10000x32xf32>
    %dot_general3A_16 = tpu.matmul %convert_element_type3A_14, %convert_element_type3A_15, %dot_general3A {dimension_numbers = #tpu.dot_dimension_numbers<[1], [0], [0], [1], [0, 0, 1, 1], [], []>, transpose_lhs_hint = false} : vector<10000x32xbf16>, vector<32x32xbf16>, vector<10000x32xf32> -> vector<10000x32xf32>
    %mul3A = vector.broadcast %convert_element_type3A_5 : vector<10000x1xf32> to vector<10000x32xf32>
    %mul3A_17 = vector.broadcast %convert_element_type3A_10 : vector<1x32xf32> to vector<10000x32xf32>
    %mul3A_18 = arith.mulf %mul3A, %mul3A_17 : vector<10000x32xf32>
    %add3A = arith.addf %dot_general3A_16, %mul3A_18 : vector<10000x32xf32>
    %get3A_19 = arith.constant 0 : index
    %get3A_20 = arith.constant 0 : index
    %get3A_21 = vector.load %arg4[%get3A_19, %get3A_20] : memref<1x32xf32, #tpu.memory_space<vmem>>, vector<1x32xf32>
    %add3A_22 = vector.broadcast %get3A_21 : vector<1x32xf32> to vector<10000x32xf32>
    %add3A_23 = arith.addf %add3A, %add3A_22 : vector<10000x32xf32>
    %max3A = arith.constant 0.000000e+00 : f32
    %max3A_24 = vector.broadcast %max3A : f32 to vector<10000x32xf32>
    %max3A_25 = arith.maximumf %add3A_23, %max3A_24 : vector<10000x32xf32>
    %get3A_26 = arith.constant 0 : index
    %get3A_27 = arith.constant 0 : index
    %get3A_28 = vector.load %arg5[%get3A_26, %get3A_27] : memref<1x32xf32, #tpu.memory_space<vmem>>, vector<1x32xf32>
    %get3A_29 = arith.constant 0 : index
    %get3A_30 = arith.constant 0 : index
    %get3A_31 = vector.load %arg6[%get3A_29, %get3A_30] : memref<1x32xf32, #tpu.memory_space<vmem>>, vector<1x32xf32>
    %reduce_sum3A = arith.constant dense<0.000000e+00> : vector<32xf32>
    %reduce_sum3A_32 = vector.multi_reduction <add>, %max3A_25, %reduce_sum3A [0] : vector<10000x32xf32> to vector<32xf32>
    %broadcast_in_dim3A = vector.shape_cast %reduce_sum3A_32 : vector<32xf32> to vector<1x32xf32>
    %div3A = arith.constant 1.000000e+04 : f32
    %div3A_33 = vector.broadcast %div3A : f32 to vector<1x32xf32>
    %div3A_34 = arith.divf %broadcast_in_dim3A, %div3A_33 : vector<1x32xf32>
    %sub3A = vector.broadcast %div3A_34 : vector<1x32xf32> to vector<10000x32xf32>
    %sub3A_35 = arith.subf %max3A_25, %sub3A : vector<10000x32xf32>
    %integer_pow3A = arith.mulf %sub3A_35, %sub3A_35 : vector<10000x32xf32>
    %reduce_sum3A_36 = arith.constant dense<0.000000e+00> : vector<32xf32>
    %reduce_sum3A_37 = vector.multi_reduction <add>, %integer_pow3A, %reduce_sum3A_36 [0] : vector<10000x32xf32> to vector<32xf32>
    %broadcast_in_dim3A_38 = vector.shape_cast %reduce_sum3A_37 : vector<32xf32> to vector<1x32xf32>
    %div3A_39 = arith.constant 1.000000e+04 : f32
    %div3A_40 = vector.broadcast %div3A_39 : f32 to vector<1x32xf32>
    %div3A_41 = arith.divf %broadcast_in_dim3A_38, %div3A_40 : vector<1x32xf32>
    %sub3A_42 = vector.broadcast %div3A_34 : vector<1x32xf32> to vector<10000x32xf32>
    %sub3A_43 = arith.subf %max3A_25, %sub3A_42 : vector<10000x32xf32>
    %mul3A_44 = vector.broadcast %get3A_28 : vector<1x32xf32> to vector<10000x32xf32>
    %mul3A_45 = arith.mulf %mul3A_44, %sub3A_43 : vector<10000x32xf32>
    %add3A_46 = arith.constant 9.99999974E-6 : f32
    %add3A_47 = vector.broadcast %add3A_46 : f32 to vector<1x32xf32>
    %add3A_48 = arith.addf %div3A_41, %add3A_47 : vector<1x32xf32>
    %sqrt3A = math.sqrt %add3A_48 : vector<1x32xf32>
    %div3A_49 = vector.broadcast %sqrt3A : vector<1x32xf32> to vector<10000x32xf32>
    %div3A_50 = arith.divf %mul3A_45, %div3A_49 : vector<10000x32xf32>
    %add3A_51 = vector.broadcast %get3A_31 : vector<1x32xf32> to vector<10000x32xf32>
    %add3A_52 = arith.addf %div3A_50, %add3A_51 : vector<10000x32xf32>
    %get3A_53 = arith.constant 0 : index
    %get3A_54 = arith.constant 0 : index
    %get3A_55 = vector.load %arg7[%get3A_53, %get3A_54] : memref<32x32xf32, #tpu.memory_space<vmem>>, vector<32x32xf32>
    %convert_element_type3A_56 = arith.truncf %add3A_52 : vector<10000x32xf32> to vector<10000x32xbf16>
    %convert_element_type3A_57 = arith.truncf %get3A_55 : vector<32x32xf32> to vector<32x32xbf16>
    %dot_general3A_58 = arith.constant dense<0.000000e+00> : vector<10000x32xf32>
    %dot_general3A_59 = tpu.matmul %convert_element_type3A_56, %convert_element_type3A_57, %dot_general3A_58 {dimension_numbers = #tpu.dot_dimension_numbers<[1], [0], [0], [1], [0, 0, 1, 1], [], []>, transpose_lhs_hint = false} : vector<10000x32xbf16>, vector<32x32xbf16>, vector<10000x32xf32> -> vector<10000x32xf32>
    %get3A_60 = arith.constant 0 : index
    %get3A_61 = arith.constant 0 : index
    %get3A_62 = vector.load %arg8[%get3A_60, %get3A_61] : memref<1x32xf32, #tpu.memory_space<vmem>>, vector<1x32xf32>
    %add3A_63 = vector.broadcast %get3A_62 : vector<1x32xf32> to vector<10000x32xf32>
    %add3A_64 = arith.addf %dot_general3A_59, %add3A_63 : vector<10000x32xf32>
    %max3A_65 = arith.constant 0.000000e+00 : f32
    %max3A_66 = vector.broadcast %max3A_65 : f32 to vector<10000x32xf32>
    %max3A_67 = arith.maximumf %add3A_64, %max3A_66 : vector<10000x32xf32>
    %get3A_68 = arith.constant 0 : index
    %get3A_69 = arith.constant 0 : index
    %get3A_70 = vector.load %arg9[%get3A_68, %get3A_69] : memref<1x32xf32, #tpu.memory_space<vmem>>, vector<1x32xf32>
    %get3A_71 = arith.constant 0 : index
    %get3A_72 = arith.constant 0 : index
    %get3A_73 = vector.load %arg10[%get3A_71, %get3A_72] : memref<1x32xf32, #tpu.memory_space<vmem>>, vector<1x32xf32>
    %reduce_sum3A_74 = arith.constant dense<0.000000e+00> : vector<32xf32>
    %reduce_sum3A_75 = vector.multi_reduction <add>, %max3A_67, %reduce_sum3A_74 [0] : vector<10000x32xf32> to vector<32xf32>
    %broadcast_in_dim3A_76 = vector.shape_cast %reduce_sum3A_75 : vector<32xf32> to vector<1x32xf32>
    %div3A_77 = arith.constant 1.000000e+04 : f32
    %div3A_78 = vector.broadcast %div3A_77 : f32 to vector<1x32xf32>
    %div3A_79 = arith.divf %broadcast_in_dim3A_76, %div3A_78 : vector<1x32xf32>
    %sub3A_80 = vector.broadcast %div3A_79 : vector<1x32xf32> to vector<10000x32xf32>
    %sub3A_81 = arith.subf %max3A_67, %sub3A_80 : vector<10000x32xf32>
    %integer_pow3A_82 = arith.mulf %sub3A_81, %sub3A_81 : vector<10000x32xf32>
    %reduce_sum3A_83 = arith.constant dense<0.000000e+00> : vector<32xf32>
    %reduce_sum3A_84 = vector.multi_reduction <add>, %integer_pow3A_82, %reduce_sum3A_83 [0] : vector<10000x32xf32> to vector<32xf32>
    %broadcast_in_dim3A_85 = vector.shape_cast %reduce_sum3A_84 : vector<32xf32> to vector<1x32xf32>
    %div3A_86 = arith.constant 1.000000e+04 : f32
    %div3A_87 = vector.broadcast %div3A_86 : f32 to vector<1x32xf32>
    %div3A_88 = arith.divf %broadcast_in_dim3A_85, %div3A_87 : vector<1x32xf32>
    %sub3A_89 = vector.broadcast %div3A_79 : vector<1x32xf32> to vector<10000x32xf32>
    %sub3A_90 = arith.subf %max3A_67, %sub3A_89 : vector<10000x32xf32>
    %mul3A_91 = vector.broadcast %get3A_70 : vector<1x32xf32> to vector<10000x32xf32>
    %mul3A_92 = arith.mulf %mul3A_91, %sub3A_90 : vector<10000x32xf32>
    %add3A_93 = arith.constant 9.99999974E-6 : f32
    %add3A_94 = vector.broadcast %add3A_93 : f32 to vector<1x32xf32>
    %add3A_95 = arith.addf %div3A_88, %add3A_94 : vector<1x32xf32>
    %sqrt3A_96 = math.sqrt %add3A_95 : vector<1x32xf32>
    %div3A_97 = vector.broadcast %sqrt3A_96 : vector<1x32xf32> to vector<10000x32xf32>
    %div3A_98 = arith.divf %mul3A_92, %div3A_97 : vector<10000x32xf32>
    %add3A_99 = vector.broadcast %get3A_73 : vector<1x32xf32> to vector<10000x32xf32>
    %add3A_100 = arith.addf %div3A_98, %add3A_99 : vector<10000x32xf32>
    %get3A_101 = arith.constant 0 : index
    %get3A_102 = arith.constant 0 : index
    %get3A_103 = vector.load %arg11[%get3A_101, %get3A_102] : memref<32x1xf32, #tpu.memory_space<vmem>>, vector<32x1xf32>
    %convert_element_type3A_104 = arith.truncf %add3A_100 : vector<10000x32xf32> to vector<10000x32xbf16>
    %convert_element_type3A_105 = arith.truncf %get3A_103 : vector<32x1xf32> to vector<32x1xbf16>
    %dot_general3A_106 = arith.constant dense<0.000000e+00> : vector<10000x1xf32>
    %dot_general3A_107 = tpu.matmul %convert_element_type3A_104, %convert_element_type3A_105, %dot_general3A_106 {dimension_numbers = #tpu.dot_dimension_numbers<[1], [0], [0], [1], [0, 0, 1, 1], [], []>, transpose_lhs_hint = false} : vector<10000x32xbf16>, vector<32x1xbf16>, vector<10000x1xf32> -> vector<10000x1xf32>
    %get3A_108 = arith.constant 0 : index
    %get3A_109 = arith.constant 0 : index
    %get3A_110 = vector.load %arg12[%get3A_108, %get3A_109] : memref<1x1xf32, #tpu.memory_space<vmem>>, vector<1x1xf32>
    %add3A_111 = vector.broadcast %get3A_110 : vector<1x1xf32> to vector<10000x1xf32>
    %add3A_112 = arith.addf %dot_general3A_107, %add3A_111 : vector<10000x1xf32>
    %max3A_113 = arith.constant 0.000000e+00 : f32
    %max3A_114 = vector.broadcast %max3A_113 : f32 to vector<10000x1xf32>
    %max3A_115 = arith.maximumf %add3A_112, %max3A_114 : vector<10000x1xf32>
    %get3A_116 = arith.constant 0 : index
    %get3A_117 = arith.constant 0 : index
    %get3A_118 = vector.load %arg13[%get3A_116, %get3A_117] : memref<1x1xf32, #tpu.memory_space<vmem>>, vector<1x1xf32>
    %get3A_119 = arith.constant 0 : index
    %get3A_120 = arith.constant 0 : index
    %get3A_121 = vector.load %arg14[%get3A_119, %get3A_120] : memref<1x1xf32, #tpu.memory_space<vmem>>, vector<1x1xf32>
    %reduce_sum3A_122 = arith.constant dense<0.000000e+00> : vector<1xf32>
    %reduce_sum3A_123 = vector.multi_reduction <add>, %max3A_115, %reduce_sum3A_122 [0] : vector<10000x1xf32> to vector<1xf32>
    %broadcast_in_dim3A_124 = vector.shape_cast %reduce_sum3A_123 : vector<1xf32> to vector<1x1xf32>
    %div3A_125 = arith.constant 1.000000e+04 : f32
    %div3A_126 = vector.broadcast %div3A_125 : f32 to vector<1x1xf32>
    %div3A_127 = arith.divf %broadcast_in_dim3A_124, %div3A_126 : vector<1x1xf32>
    %sub3A_128 = vector.broadcast %div3A_127 : vector<1x1xf32> to vector<10000x1xf32>
    %sub3A_129 = arith.subf %max3A_115, %sub3A_128 : vector<10000x1xf32>
    %integer_pow3A_130 = arith.mulf %sub3A_129, %sub3A_129 : vector<10000x1xf32>
    %reduce_sum3A_131 = arith.constant dense<0.000000e+00> : vector<1xf32>
    %reduce_sum3A_132 = vector.multi_reduction <add>, %integer_pow3A_130, %reduce_sum3A_131 [0] : vector<10000x1xf32> to vector<1xf32>
    %broadcast_in_dim3A_133 = vector.shape_cast %reduce_sum3A_132 : vector<1xf32> to vector<1x1xf32>
    %div3A_134 = arith.constant 1.000000e+04 : f32
    %div3A_135 = vector.broadcast %div3A_134 : f32 to vector<1x1xf32>
    %div3A_136 = arith.divf %broadcast_in_dim3A_133, %div3A_135 : vector<1x1xf32>
    %sub3A_137 = vector.broadcast %div3A_127 : vector<1x1xf32> to vector<10000x1xf32>
    %sub3A_138 = arith.subf %max3A_115, %sub3A_137 : vector<10000x1xf32>
    %mul3A_139 = vector.broadcast %get3A_118 : vector<1x1xf32> to vector<10000x1xf32>
    %mul3A_140 = arith.mulf %mul3A_139, %sub3A_138 : vector<10000x1xf32>
    %add3A_141 = arith.constant 9.99999974E-6 : f32
    %add3A_142 = vector.broadcast %add3A_141 : f32 to vector<1x1xf32>
    %add3A_143 = arith.addf %div3A_136, %add3A_142 : vector<1x1xf32>
    %sqrt3A_144 = math.sqrt %add3A_143 : vector<1x1xf32>
    %div3A_145 = vector.broadcast %sqrt3A_144 : vector<1x1xf32> to vector<10000x1xf32>
    %div3A_146 = arith.divf %mul3A_140, %div3A_145 : vector<10000x1xf32>
    %add3A_147 = vector.broadcast %get3A_121 : vector<1x1xf32> to vector<10000x1xf32>
    %add3A_148 = arith.addf %div3A_146, %add3A_147 : vector<10000x1xf32>
    %neg3A = arith.constant 0.000000e+00 : f32
    %neg3A_149 = vector.broadcast %neg3A : f32 to vector<10000x1xf32>
    %neg3A_150 = arith.subf %neg3A_149, %add3A_148 : vector<10000x1xf32>
    %exp3A = math.exp %neg3A_150 : vector<10000x1xf32>
    %add3A_151 = arith.constant 1.000000e+00 : f32
    %add3A_152 = vector.broadcast %add3A_151 : f32 to vector<10000x1xf32>
    %add3A_153 = arith.addf %add3A_152, %exp3A : vector<10000x1xf32>
    %div3A_154 = arith.constant 1.000000e+00 : f32
    %div3A_155 = vector.broadcast %div3A_154 : f32 to vector<10000x1xf32>
    %div3A_156 = arith.divf %div3A_155, %add3A_153 : vector<10000x1xf32>
    %swap3A = arith.constant 0 : index
    %swap3A_157 = arith.constant 0 : index
    %swap3A_158 = vector.load %arg15[%swap3A, %swap3A_157] : memref<10000x1xf32, #tpu.memory_space<vmem>>, vector<10000x1xf32>
    tpu.vector_store %arg15[%swap3A, %swap3A_157], %div3A_156 {strides = array<i32>} : memref<10000x1xf32, #tpu.memory_space<vmem>>, vector<10000x1xf32>,
    return
  }
}

</mosaic_0001>

<sc_bundles>
// kernel: kernel.11.cloned.1.call-start
scs
__scs_entry_jumppad:
0x0: {  	(pc) =	sbr.rel $0x88, $3  }
0x1: {  	(tag) =	ssettag $0x0;
	lr =	simm.s32 $0x1  }
0x2: {  	[smem:$0x3F8E] =	sst lr;
	_ =	strace $0xD0000000  }
0x3: {  	_ = 	snop  }
0x4: {  	_ = 	snop  }
0x5: {  	_ = 	snop  }
0x6: {  	_ = 	snop  }
0x7: {  	_ = 	snop  }
__scs_overlays_trampoline_lowered:
0x8: {  	[smem:$0x3F9D] =	sst s0  }
0x9: {  	[smem:$0x3F9E] =	sst s1  }
0xa: {  	[smem:$0x3F9F] =	sst s2  }
0xb: {  	[smem:$0x3FA0] =	sst s3  }
0xc: {  	[smem:$0x3FA1] =	sst s4  }
0xd: {  	[smem:$0x3FA2] =	sst s5  }
0xe: {  	[smem:$0x3FA3] =	sst s6  }
0xf: {  	[smem:$0x3FA4] =	sst s7  }
0x10: {  	[smem:$0x3FA5] =	sst s8  }
0x11: {  	[smem:$0x3FA6] =	sst s9;
	s0 =	simm.s32 @!p0 $0x0  }
0x12: {  	s1 =	sld [smem:$0x3F8C];
	s0 =	simm.s32 @p0 $0x1  }
0x13: {  	[smem:$0x3FA7] =	sst s0;
	s0 =	simm.s32 @!p1 $0x0  }
0x14: {  	s2 =	sld [smem:$0x3F8B];
	s0 =	simm.s32 @p1 $0x1  }
0x15: {  	[smem:$0x3FA8] =	sst s0;
	s0 =	simm.s32 @!p2 $0x0  }
0x16: {  	s3 =	sld [smem:$0x3FDB];
	s0 =	simm.s32 @p2 $0x1  }
0x17: {  	s4 =	simm.s32 $0x1BF5;
	[smem:$0x3FAA] =	sst s0  }
0x18: {  	s0 =	sld [smem:$0x3F8D];
	_ =	swait.ge [sflag:s4], $0x0  }
0x19: {  	s7 =	sld [smem:$0x3F8E]  }
0x1a: {  	s8 =	sadd.s32 $0xFFFFE003, lr  }
0x1b: {  	s9 =	sadd.s32 $0xFFFFFEF7, lr;
	s5 =	simm.s32 $0xFFFFFFFF;
	p2 =	slt.u32 s8, $0xFFFFF086  }
0x1c: {  	p1 =	slt.u32 s9, $0xF7A;
	s5 =	simm.s32 @!p2 $0x0  }
0x1d: {  	s5 =	simm.s32 @p1 $0x1;
	p0 =	seq.s32 s7, s2  }
0x1e: {  	s7 =	smul.u32 @!p0 $0xF7A, s2;
	p2 =	seq.s32 @!p0 s5, $0x0  }
0x1f: {  	s9 =	smul.u32 $0xF7A, s1;
	s8 =	simm.s32 @!p0 $0x1BF5;
	p2 =	por !p2, p0  }
0x20: {  	[sflag:s8] =	ssyncset.s32 @!p0 $0xFFFFF086;
	s6 =	sadd.s32 @!p0 s3, s7;
	s7 =	simm.s32 @!p0 $0x108  }
0x21: {  	s3 =	sadd.s32 s3, s9;
	s6 =	sadd.s32 @!p0 $0x88, s6;
	s7 =	simm.s32 @p2 $0x1082  }
0x22: {  	[simem:s7], [sflag:s8] =	dma.local @!p0 [hbm:s6], $0xF7A  }
0x23: {  	s9 =	sor.u32 $0xD0000000, s2;
	s6 =	simm.s32 $0x108;
	_ =	swait.ge @!p0 [sflag:s8], $0x0  }
0x24: {  	s3 =	sadd.s32 $0x88, s3;
	s6 =	simm.s32 @!p1 $0x1082;
	[sflag:s4] =	ssyncset.s32 $0xFFFFF086  }
0x25: {  	[simem:s6], [sflag:s4] =	dma.local [hbm:s3], $0xF7A  }
0x26: {  	[smem:$0x3F8E] =	sst s1;
	(tag) =	ssettag s2;
	_ =	strace s9  }
0x27: {  	s1 =	sld [smem:$0x3F9E]  }
0x28: {  	s2 =	sld [smem:$0x3F9F]  }
0x29: {  	s4 =	sld [smem:$0x3FA1]  }
0x2a: {  	p0 =	seq.s32 s5, $0x0;
	s5 =	sld [smem:$0x3FA2]  }
0x2b: {  	s6 =	sld [smem:$0x3FA3]  }
0x2c: {  	s7 =	sld [smem:$0x3FA4]  }
0x2d: {  	s3 =	simm.s32 $0x108;
	s8 =	sld [smem:$0x3FA5]  }
0x2e: {  	s3 =	simm.s32 @!p0 $0x1082;
	s9 =	sld [smem:$0x3FA6]  }
0x2f: {  	lr =	sadd.s32 s0, s3;
	s0 =	sld [smem:$0x3F9D]  }
0x30: {  	s3 =	sld [smem:$0x3FA0]  }
0x31: {  	[smem:$0x3FA9] =	sst s10  }
0x32: {  	s10 =	sld [smem:$0x3FA7];
	_ =	sdelay $0x3  }
0x33: {  	p0 =	seq.s32 s10, $0x1;
	s10 =	sld [smem:$0x3FA9];
	_ =	sdelay $0x3  }
0x34: {  	[smem:$0x3FA9] =	sst s10  }
0x35: {  	s10 =	sld [smem:$0x3FA8];
	_ =	sdelay $0x3  }
0x36: {  	p1 =	seq.s32 s10, $0x1;
	s10 =	sld [smem:$0x3FA9];
	_ =	sdelay $0x3  }
0x37: {  	[smem:$0x3FA9] =	sst s10  }
0x38: {  	s10 =	sld [smem:$0x3FAA]  }
0x39: {  	_ = 	snop;
	(pc) =	sbr.ind lr, $3  }
0x3a: {  	_ = 	snop  }
0x3b: {  	_ = 	snop  }
0x3c: {  	p2 =	seq.s32 s10, $0x1;
	s10 =	sld [smem:$0x3FA9]  }
0x3d: {  	_ =	shalt  }
0x3e: {  	_ =	shalt  }
0x3f: {  	_ =	shalt  }
0x40: {  	_ =	shalt  }
0x41: {  	_ =	shalt  }
0x42: {  	_ =	shalt  }
0x43: {  	_ =	shalt  }
0x44: {  	_ =	shalt  }
0x45: {  	_ =	shalt  }
0x46: {  	_ =	shalt  }
0x47: {  	_ =	shalt  }
0x48: {  	_ =	shalt  }
0x49: {  	_ =	shalt  }
0x4a: {  	_ =	shalt  }
0x4b: {  	_ =	shalt  }
0x4c: {  	_ =	shalt  }
0x4d: {  	_ =	shalt  }
0x4e: {  	_ =	shalt  }
0x4f: {  	_ =	shalt  }
0x50: {  	_ =	shalt  }
0x51: {  	_ =	shalt  }
0x52: {  	_ =	shalt  }
0x53: {  	_ =	shalt  }
0x54: {  	_ =	shalt  }
0x55: {  	_ =	shalt  }
0x56: {  	_ =	shalt  }
0x57: {  	_ =	shalt  }
0x58: {  	_ =	shalt  }
0x59: {  	_ =	shalt  }
0x5a: {  	_ =	shalt  }
0x5b: {  	_ =	shalt  }
0x5c: {  	_ =	shalt  }
0x5d: {  	_ =	shalt  }
0x5e: {  	_ =	shalt  }
0x5f: {  	_ =	shalt  }
0x60: {  	_ =	shalt  }
0x61: {  	_ =	shalt  }
0x62: {  	_ =	shalt  }
0x63: {  	_ =	shalt  }
0x64: {  	_ =	shalt  }
0x65: {  	_ =	shalt  }
0x66: {  	_ =	shalt  }
0x67: {  	_ =	shalt  }
0x68: {  	_ =	shalt  }
0x69: {  	_ =	shalt  }
0x6a: {  	_ =	shalt  }
0x6b: {  	_ =	shalt  }
0x6c: {  	_ =	shalt  }
0x6d: {  	_ =	shalt  }
0x6e: {  	_ =	shalt  }
0x6f: {  	_ =	shalt  }
0x70: {  	_ =	shalt  }
0x71: {  	_ =	shalt  }
0x72: {  	_ =	shalt  }
0x73: {  	_ =	shalt  }
0x74: {  	_ =	shalt  }
0x75: {  	_ =	shalt  }
0x76: {  	_ =	shalt  }
0x77: {  	_ =	shalt  }
0x78: {  	_ =	shalt  }
0x79: {  	_ =	shalt  }
0x7a: {  	_ =	shalt  }
0x7b: {  	_ =	shalt  }
0x7c: {  	_ =	shalt  }
0x7d: {  	_ =	shalt  }
0x7e: {  	_ =	shalt  }
0x7f: {  	_ =	shalt  }
0x80: {  	_ =	shalt  }
0x81: {  	_ =	shalt  }
0x82: {  	_ =	shalt  }
0x83: {  	_ =	shalt  }
0x84: {  	_ =	shalt  }
0x85: {  	_ =	shalt  }
0x86: {  	_ =	shalt  }
0x87: {  	_ =	shalt  }
.Lfunc_end0:
.L_simem_size_0:
called_computation.1_lowered:
.L_overlay_start_0:
0x88: {  	s2 =	sld [smem:$0x3FD9]  }
0x89: {  	s3 =	sld [smem:$0x3FFE];
	_ =	sdelay $0x1  }
0x8a: {  	s1 =	srdreg.scid  }
0x8b: {  	s0 =	sand.u32 $0x1, s1  }
0x8c: {  	s17 =	sshll.u32 s0, $0xA;
	s2 =	sadd.s32 s3, s2  }
0x8d: {  	s2 =	sadd.s32 s2, s17  }
0x8e: {  	[smem:$0x3FB5] =	sst s2  }
0x8f: {  	_ = 	snop  }
0x90: {  	s2 =	sld [smem:$0x3FD0];
	(tm) =	ssettm $0x1  }
0x91: {  	s18 =	sld [smem:$0x3FFB];
	_ =	sdelay $0x3  }
0x92: {  	_ =	strace s18  }
0x93: {  	s3 =	sld [smem:$0x3FFC];
	_ =	sdelay $0x3  }
0x94: {  	_ =	strace s3  }
0x95: {  	s3 =	sld [smem:$0x3FFD];
	_ =	sdelay $0x3  }
0x96: {  	_ =	strace s3  }
0x97: {  	_ =	strace $0x8FFFFFFF  }
0x98: {  	s19 =	sld [smem:$0x3FDB];
	_ =	sdelay $0x1  }
0x99: {  	s4 =	simm.s32 $_scs_section_size  }
0x9a: {  	s5 =	simm.s32 $_size__tile_overlayer_lowered;
	s6 =	simm.s32 $_tile_overlayer_lowered  }
0x9b: {  	s22 =	simm.s32 $0x1BFF;
	s21 =	sshll.u32 s6, $0x1;
	s3 =	sadd.s32 s4, s19  }
0x9c: {  	s7 =	simm.s32 $0x0;
	s20 =	sshll.u32 s5, $0x1;
	s5 =	sadd.s32 s21, s3  }
0x9d: {  	[timem:s7], [sflag:s22] =	dma.local [hbm:s5], s20  }
0x9e: {  	_ =	swait.ge [sflag:s22], s20  }
0x9f: {  	s4 =	ssub.s32 $0x0, s20;
	[sflag:s22] =	ssyncset.done $0x0  }
0xa0: {  	[sflag:s22] =	ssyncadd.s32 s4;
	_ =	sdelay $0x1  }
0xa1: {  	s23 =	simm.s32 $0x1B8B  }
0xa2: {  	_ =	swait.ge [sflag:s23], $0x1  }
0xa3: {  	[sflag:s23] =	ssyncset.done $0x0  }
0xa4: {  	s25 =	simm.s32 $0x1B8E;
	s24 =	sld [smem:$0x3FFE];
	[sflag:s23] =	ssyncadd.s32 $0xFFFFFFFF  }
0xa5: {  	s26 =	simm.s32 $execute0_lowered;
	[smem:$0x3FD2] =	sst s25  }
0xa6: {  	s5 =	sshll.u32 s26, $0x1;
	_ =	strace $0x80000049;
	[dreg:$0x1] =	wrdreg $0xFFFFFFFF  }
0xa7: {  	s28 =	simm.s32 $_size_execute0_lowered;
	s3 =	sadd.s32 s3, s5;
	[dreg:$0x0] =	wrdreg $0x0  }
0xa8: {  	s5 =	sshll.u32 s28, $0x1;
	[dreg:$0x2] =	wrdreg s3  }
0xa9: {  	[dreg:$0x3] =	wrdreg s5  }
0xaa: {  	[dreg:$0x4] =	wrdreg $0xC0  }
0xab: {  	_ =	task [dreg:s7], $0x5FFFF  }
0xac: {  	[dreg:$0x1] =	wrdreg $0xFFFFFFFF  }
0xad: {  	[dreg:$0x0] =	wrdreg $0x60  }
0xae: {  	[dreg:$0x2] =	wrdreg s24  }
0xaf: {  	[dreg:$0x3] =	wrdreg s2  }
0xb0: {  	[dreg:$0x4] =	wrdreg $0x9  }
0xb1: {  	_ =	task.clear_ibuf [dreg:s7], $0x5FFFF;
	_ =	strace $0x90000049  }
0xb2: {  	s29 =	simm.s32 $0x9;
	_ =	strace $0x8000004B  }
0xb3: {  	_ =	swait.ge [sflag:s29], $0x1  }
0xb4: {  	[sflag:s29] =	ssyncadd.s32 $0xFFFFFFFF  }
0xb5: {  	_ =	strace $0x9000004B  }
0xb6: {  	_ =	sfence  }
0xb7: {  	s30 =	sld [smem:$0x0];
	_ =	sdelay $0x2  }
0xb8: {  	s31 =	sshll.u32 s1, $0xD;
	s1 =	sshrl.u32 s1, $0x2  }
0xb9: {  	s3 =	sand.u32 $0x4000, s31;
	s1 =	sadd.s32 s1, s30  }
0xba: {  	s0 =	sor.u32 s3, s0;
	s1 =	sshll.u32 s1, $0x11  }
0xbb: {  	s0 =	sor.u32 s1, s0  }
0xbc: {  	s0 =	sadd.s32 $0x8F2B, s0  }
0xbd: {  	[sflag:s0] =	ssyncadd.remote.s32 $0x1  }
0xbe: {  	_ =	sfence.sel $0xFFFF  }
0xbf: {  	[dreg:$0x0] =	wrdreg $0xFFFFFFFF;
	(pc) =	sbr.abs _section_cstart, $3  }
0xc0: {  	[dreg:$0x1] =	wrdreg $0xFFFFFFFF  }
0xc1: {  	_ =	task.clear_ibuf [dreg:s7], $0x2FFFF;
	_ =	strace $0x9FFFFFFF  }
0xc2: {  	(tm) =	ssettm $0x7FFFFFFF  }
0xc3: {  	_ =	shalt  }
tec
execute0_lowered:
.L_overlay_start_1:
0x0: {  	(tag) =	ssettag $0x1  }
0x1: {  	s1 =	srdreg.scid  }
0x2: {  	s0 =	stileid.u32;
	s8 =	rddreg [dreg:$0x0]  }
0x3: {  	s3 =	rddreg [dreg:$0x1];
	s6 =	sand.u32 $0x1, s1;
	s30 =	sshll.u32 s0, $0x1  }
0x4: {  	s2 =	simm.s32 $0x0;
	s1 =	rddreg [dreg:$0x2];
	s7 =	sor.u32 s6, s30  }
0x5: {  	[smem:$0x7FF] =	sst s2;
	s4 =	smul.u32 $0x14, s7  }
0x6: {  	s5 =	sadd.s32 $0x1600, s8;
	_ =	strace $0x8000004A;
	s10 =	ssub.s32 $0x2, s6  }
0x7: {  	s6 =	simm.s32 $0xA0;
	s4 =	sadd.s32 s3, s4;
	s3 =	simm.s32 $0x2  }
0x8: {  	[tilespmem:s2], [sflag:$0x2] =	stream.linear.gather [hbm4b:s4+s2], $0xA0, $0x38;
	[tilespmem:$0x1EA0] =	vst v63  }
0x9: {  	s9 =	smul.u32 $0x3C0, s7;
	s11 =	sshrl.u32 s10, $0x1;
	_ =	swait.ge [sflag:s3], $0xA0  }
0xa: {  	s7 =	simm.s32 $0x1;
	s31 =	ssub.s32 s10, s11;
	[sflag:s3] =	ssyncset.done $0x0  }
0xb: {  	s8 =	sadd.s32 s9, s8;
	s9 =	smax.u32 s31, $0x1;
	[sflag:s3] =	ssyncadd.s32 $0xFFFFFF60  }
0xc: {  	[tilespmem:s6], [sflag:$0x1] =	stream.indirect.gather [hbm4b:s5+s6], $0x30, s2, s6, $0xb8;
	[tilespmem:$0x1EA0] =	vst v63  }
0xd: {  	p0 =	sne.s32 s9, $0x1;
	_ =	swait.ge [sflag:s7], $0x1E00  }
.Ltmp0:
0xe: {  	[sflag:s7] =	ssyncset.done $0x0;
	(pc) =	sbr.rel @!p0 .LBB2_2-.Ltmp0, $4  }
0xf: {  	s8 =	sadd.s32 $0x10200, s8;
	[sflag:s7] =	ssyncadd.s32 $0xFFFFE200  }
0x10: {  	[hbm4b:s8+s2] =	stream.linear.scatter [tilespmem:s6], [sflag:$0x2], $0x1E00, $0x38;
	[tilespmem:$0x1EA0] =	vst v63  }
0x11: {  	_ =	swait.ge [sflag:s3], $0x1E00  }
0x12: {  	s9 =	sadd.s32 $0xFFFFFFFF, s9;
	[sflag:s3] =	ssyncset.done $0x0  }
.LBB2_1:
0x13: {  	p0 =	sne.s32 s9, $0x1;
	s9 =	sadd.s32 $0xFFFFFFFF, s9;
	[sflag:s3] =	ssyncadd.s32 $0xFFFFE200  }
0x14: {  	[tilespmem:s2], [sflag:$0x2] =	stream.linear.gather [hbm4b:s4+s2], $0xA0, $0x38;
	[tilespmem:$0x1EA0] =	vst v63  }
0x15: {  	_ =	swait.ge [sflag:s3], $0xA0  }
0x16: {  	[sflag:s3] =	ssyncset.done $0x0  }
0x17: {  	[sflag:s3] =	ssyncadd.s32 $0xFFFFFF60  }
0x18: {  	[tilespmem:s6], [sflag:$0x1] =	stream.indirect.gather [hbm4b:s5+s6], $0x30, s2, s6, $0xb8;
	[tilespmem:$0x1EA0] =	vst v63  }
0x19: {  	_ =	swait.ge [sflag:s7], $0x1E00  }
.Ltmp1:
0x1a: {  	[sflag:s7] =	ssyncset.done $0x0;
	(pc) =	sbr.rel @p0 .LBB2_1-.Ltmp1, $4  }
0x1b: {  	[sflag:s7] =	ssyncadd.s32 $0xFFFFE200  }
0x1c: {  	[hbm4b:s8+s2] =	stream.linear.scatter [tilespmem:s6], [sflag:$0x2], $0x1E00, $0x38;
	[tilespmem:$0x1EA0] =	vst v63  }
0x1d: {  	_ =	swait.ge [sflag:s3], $0x1E00  }
0x1e: {  	[sflag:s3] =	ssyncset.done $0x0  }
.LBB2_2:
0x1f: {  	[sflag:s3] =	ssyncadd.s32 $0xFFFFE200  }
0x20: {  	_ =	sfence.sel $0x180000  }
0x21: {  	[bflag:$0x0] =	sbarrier.arrive $0xFFFF  }
0x22: {  	p0 =	sne.s32 s0, $0x0;
	_ =	strace $0x9000004A  }
0x23: {  	s0 =	sadd.s32 @!p0 $0x100000, s1;
	[bflag:$0x2] =	sbarrier.arrive $0xFFFF  }
0x24: {  	[sflag:s0] =	ssyncadd.tile.s32 @!p0 $0x1;
	_ =	shalt  }
.Lfunc_end2:
_tile_overlayer_lowered:
.L_overlay_start_2:
0x25: {  	(tag) =	ssettag $0x2  }
0x26: {  	s0 =	rddreg [dreg:$0x0];
	s2 =	stileid.u32  }
0x27: {  	s1 =	rddreg [dreg:$0x1];
	p0 =	sne.s32 s2, $0x0  }
0x28: {  	s3 =	rddreg [dreg:$0x2];
	[bflag:$0x3] =	sbarrier.arrive $0xFFFF;
	s2 =	simm.s32 @!p0 $0x1C02  }
0x29: {  	[timem:s3], [sflag:s2] =	dma.local @!p0 [hbm:s0], s1  }
0x2a: {  	s0 =	simm.s32 @!p0 $0x2  }
0x2b: {  	_ =	swait.ge @!p0 [sflag:s0], s1  }
0x2c: {  	s1 =	ssub.s32 @!p0 $0x0, s1;
	[sflag:s0] =	ssyncset.done @!p0 $0x0  }
0x2d: {  	[sflag:s0] =	ssyncadd.s32 @!p0 s1  }
0x2e: {  	[bflag:$0x3] =	sbarrier.arrive $0xFFFF  }
0x2f: {  	_ =	shalt  }

// kernel: kernel.8.cloned.1.call-start
scs
__scs_entry_jumppad:
0x0: {  	(pc) =	sbr.rel $0x88, $3  }
0x1: {  	(tag) =	ssettag $0x0;
	lr =	simm.s32 $0x1  }
0x2: {  	[smem:$0x3F8E] =	sst lr;
	_ =	strace $0xD0000000  }
0x3: {  	_ = 	snop  }
0x4: {  	_ = 	snop  }
0x5: {  	_ = 	snop  }
0x6: {  	_ = 	snop  }
0x7: {  	_ = 	snop  }
__scs_overlays_trampoline_lowered:
0x8: {  	[smem:$0x3F9D] =	sst s0  }
0x9: {  	[smem:$0x3F9E] =	sst s1  }
0xa: {  	[smem:$0x3F9F] =	sst s2  }
0xb: {  	[smem:$0x3FA0] =	sst s3  }
0xc: {  	[smem:$0x3FA1] =	sst s4  }
0xd: {  	[smem:$0x3FA2] =	sst s5  }
0xe: {  	[smem:$0x3FA3] =	sst s6  }
0xf: {  	[smem:$0x3FA4] =	sst s7  }
0x10: {  	[smem:$0x3FA5] =	sst s8  }
0x11: {  	[smem:$0x3FA6] =	sst s9;
	s0 =	simm.s32 @!p0 $0x0  }
0x12: {  	s1 =	sld [smem:$0x3F8C];
	s0 =	simm.s32 @p0 $0x1  }
0x13: {  	[smem:$0x3FA7] =	sst s0;
	s0 =	simm.s32 @!p1 $0x0  }
0x14: {  	s2 =	sld [smem:$0x3F8B];
	s0 =	simm.s32 @p1 $0x1  }
0x15: {  	[smem:$0x3FA8] =	sst s0;
	s0 =	simm.s32 @!p2 $0x0  }
0x16: {  	s3 =	sld [smem:$0x3FDB];
	s0 =	simm.s32 @p2 $0x1  }
0x17: {  	s4 =	simm.s32 $0x1BF5;
	[smem:$0x3FAA] =	sst s0  }
0x18: {  	s0 =	sld [smem:$0x3F8D];
	_ =	swait.ge [sflag:s4], $0x0  }
0x19: {  	s7 =	sld [smem:$0x3F8E]  }
0x1a: {  	s8 =	sadd.s32 $0xFFFFE003, lr  }
0x1b: {  	s9 =	sadd.s32 $0xFFFFFEF7, lr;
	s5 =	simm.s32 $0xFFFFFFFF;
	p2 =	slt.u32 s8, $0xFFFFF086  }
0x1c: {  	p1 =	slt.u32 s9, $0xF7A;
	s5 =	simm.s32 @!p2 $0x0  }
0x1d: {  	s5 =	simm.s32 @p1 $0x1;
	p0 =	seq.s32 s7, s2  }
0x1e: {  	s7 =	smul.u32 @!p0 $0xF7A, s2;
	p2 =	seq.s32 @!p0 s5, $0x0  }
0x1f: {  	s9 =	smul.u32 $0xF7A, s1;
	s8 =	simm.s32 @!p0 $0x1BF5;
	p2 =	por !p2, p0  }
0x20: {  	[sflag:s8] =	ssyncset.s32 @!p0 $0xFFFFF086;
	s6 =	sadd.s32 @!p0 s3, s7;
	s7 =	simm.s32 @!p0 $0x108  }
0x21: {  	s3 =	sadd.s32 s3, s9;
	s6 =	sadd.s32 @!p0 $0x88, s6;
	s7 =	simm.s32 @p2 $0x1082  }
0x22: {  	[simem:s7], [sflag:s8] =	dma.local @!p0 [hbm:s6], $0xF7A  }
0x23: {  	s9 =	sor.u32 $0xD0000000, s2;
	s6 =	simm.s32 $0x108;
	_ =	swait.ge @!p0 [sflag:s8], $0x0  }
0x24: {  	s3 =	sadd.s32 $0x88, s3;
	s6 =	simm.s32 @!p1 $0x1082;
	[sflag:s4] =	ssyncset.s32 $0xFFFFF086  }
0x25: {  	[simem:s6], [sflag:s4] =	dma.local [hbm:s3], $0xF7A  }
0x26: {  	[smem:$0x3F8E] =	sst s1;
	(tag) =	ssettag s2;
	_ =	strace s9  }
0x27: {  	s1 =	sld [smem:$0x3F9E]  }
0x28: {  	s2 =	sld [smem:$0x3F9F]  }
0x29: {  	s4 =	sld [smem:$0x3FA1]  }
0x2a: {  	p0 =	seq.s32 s5, $0x0;
	s5 =	sld [smem:$0x3FA2]  }
0x2b: {  	s6 =	sld [smem:$0x3FA3]  }
0x2c: {  	s7 =	sld [smem:$0x3FA4]  }
0x2d: {  	s3 =	simm.s32 $0x108;
	s8 =	sld [smem:$0x3FA5]  }
0x2e: {  	s3 =	simm.s32 @!p0 $0x1082;
	s9 =	sld [smem:$0x3FA6]  }
0x2f: {  	lr =	sadd.s32 s0, s3;
	s0 =	sld [smem:$0x3F9D]  }
0x30: {  	s3 =	sld [smem:$0x3FA0]  }
0x31: {  	[smem:$0x3FA9] =	sst s10  }
0x32: {  	s10 =	sld [smem:$0x3FA7];
	_ =	sdelay $0x3  }
0x33: {  	p0 =	seq.s32 s10, $0x1;
	s10 =	sld [smem:$0x3FA9];
	_ =	sdelay $0x3  }
0x34: {  	[smem:$0x3FA9] =	sst s10  }
0x35: {  	s10 =	sld [smem:$0x3FA8];
	_ =	sdelay $0x3  }
0x36: {  	p1 =	seq.s32 s10, $0x1;
	s10 =	sld [smem:$0x3FA9];
	_ =	sdelay $0x3  }
0x37: {  	[smem:$0x3FA9] =	sst s10  }
0x38: {  	s10 =	sld [smem:$0x3FAA]  }
0x39: {  	_ = 	snop;
	(pc) =	sbr.ind lr, $3  }
0x3a: {  	_ = 	snop  }
0x3b: {  	_ = 	snop  }
0x3c: {  	p2 =	seq.s32 s10, $0x1;
	s10 =	sld [smem:$0x3FA9]  }
0x3d: {  	_ =	shalt  }
0x3e: {  	_ =	shalt  }
0x3f: {  	_ =	shalt  }
0x40: {  	_ =	shalt  }
0x41: {  	_ =	shalt  }
0x42: {  	_ =	shalt  }
0x43: {  	_ =	shalt  }
0x44: {  	_ =	shalt  }
0x45: {  	_ =	shalt  }
0x46: {  	_ =	shalt  }
0x47: {  	_ =	shalt  }
0x48: {  	_ =	shalt  }
0x49: {  	_ =	shalt  }
0x4a: {  	_ =	shalt  }
0x4b: {  	_ =	shalt  }
0x4c: {  	_ =	shalt  }
0x4d: {  	_ =	shalt  }
0x4e: {  	_ =	shalt  }
0x4f: {  	_ =	shalt  }
0x50: {  	_ =	shalt  }
0x51: {  	_ =	shalt  }
0x52: {  	_ =	shalt  }
0x53: {  	_ =	shalt  }
0x54: {  	_ =	shalt  }
0x55: {  	_ =	shalt  }
0x56: {  	_ =	shalt  }
0x57: {  	_ =	shalt  }
0x58: {  	_ =	shalt  }
0x59: {  	_ =	shalt  }
0x5a: {  	_ =	shalt  }
0x5b: {  	_ =	shalt  }
0x5c: {  	_ =	shalt  }
0x5d: {  	_ =	shalt  }
0x5e: {  	_ =	shalt  }
0x5f: {  	_ =	shalt  }
0x60: {  	_ =	shalt  }
0x61: {  	_ =	shalt  }
0x62: {  	_ =	shalt  }
0x63: {  	_ =	shalt  }
0x64: {  	_ =	shalt  }
0x65: {  	_ =	shalt  }
0x66: {  	_ =	shalt  }
0x67: {  	_ =	shalt  }
0x68: {  	_ =	shalt  }
0x69: {  	_ =	shalt  }
0x6a: {  	_ =	shalt  }
0x6b: {  	_ =	shalt  }
0x6c: {  	_ =	shalt  }
0x6d: {  	_ =	shalt  }
0x6e: {  	_ =	shalt  }
0x6f: {  	_ =	shalt  }
0x70: {  	_ =	shalt  }
0x71: {  	_ =	shalt  }
0x72: {  	_ =	shalt  }
0x73: {  	_ =	shalt  }
0x74: {  	_ =	shalt  }
0x75: {  	_ =	shalt  }
0x76: {  	_ =	shalt  }
0x77: {  	_ =	shalt  }
0x78: {  	_ =	shalt  }
0x79: {  	_ =	shalt  }
0x7a: {  	_ =	shalt  }
0x7b: {  	_ =	shalt  }
0x7c: {  	_ =	shalt  }
0x7d: {  	_ =	shalt  }
0x7e: {  	_ =	shalt  }
0x7f: {  	_ =	shalt  }
0x80: {  	_ =	shalt  }
0x81: {  	_ =	shalt  }
0x82: {  	_ =	shalt  }
0x83: {  	_ =	shalt  }
0x84: {  	_ =	shalt  }
0x85: {  	_ =	shalt  }
0x86: {  	_ =	shalt  }
0x87: {  	_ =	shalt  }
.Lfunc_end0:
.L_simem_size_0:
called_computation_lowered:
.L_overlay_start_0:
0x88: {  	s2 =	sld [smem:$0x3FD9]  }
0x89: {  	s3 =	sld [smem:$0x3FFE];
	_ =	sdelay $0x1  }
0x8a: {  	s1 =	srdreg.scid  }
0x8b: {  	s0 =	sand.u32 $0x1, s1  }
0x8c: {  	s17 =	sshll.u32 s0, $0xA;
	s2 =	sadd.s32 s3, s2  }
0x8d: {  	s2 =	sadd.s32 s2, s17  }
0x8e: {  	[smem:$0x3FB5] =	sst s2  }
0x8f: {  	_ = 	snop  }
0x90: {  	s2 =	sld [smem:$0x3FC9];
	(tm) =	ssettm $0x1  }
0x91: {  	s18 =	sld [smem:$0x3FFB];
	_ =	sdelay $0x3  }
0x92: {  	_ =	strace s18  }
0x93: {  	s3 =	sld [smem:$0x3FFC];
	_ =	sdelay $0x3  }
0x94: {  	_ =	strace s3  }
0x95: {  	s3 =	sld [smem:$0x3FFD];
	_ =	sdelay $0x3  }
0x96: {  	_ =	strace s3  }
0x97: {  	_ =	strace $0x8FFFFFFF  }
0x98: {  	s19 =	sld [smem:$0x3FDB];
	_ =	sdelay $0x1  }
0x99: {  	s4 =	simm.s32 $_scs_section_size  }
0x9a: {  	s5 =	simm.s32 $_size__tile_overlayer_lowered;
	s6 =	simm.s32 $_tile_overlayer_lowered  }
0x9b: {  	s22 =	simm.s32 $0x1BFF;
	s21 =	sshll.u32 s6, $0x1;
	s3 =	sadd.s32 s4, s19  }
0x9c: {  	s7 =	simm.s32 $0x0;
	s20 =	sshll.u32 s5, $0x1;
	s5 =	sadd.s32 s21, s3  }
0x9d: {  	[timem:s7], [sflag:s22] =	dma.local [hbm:s5], s20  }
0x9e: {  	_ =	swait.ge [sflag:s22], s20  }
0x9f: {  	s4 =	ssub.s32 $0x0, s20;
	[sflag:s22] =	ssyncset.done $0x0  }
0xa0: {  	[sflag:s22] =	ssyncadd.s32 s4;
	_ =	sdelay $0x1  }
0xa1: {  	s23 =	simm.s32 $0x1B8B  }
0xa2: {  	_ =	swait.ge [sflag:s23], $0x1  }
0xa3: {  	[sflag:s23] =	ssyncset.done $0x0  }
0xa4: {  	s25 =	simm.s32 $0x1B8E;
	s24 =	sld [smem:$0x3FFE];
	[sflag:s23] =	ssyncadd.s32 $0xFFFFFFFF  }
0xa5: {  	s26 =	simm.s32 $execute0_lowered;
	[smem:$0x3FD2] =	sst s25  }
0xa6: {  	s5 =	sshll.u32 s26, $0x1;
	_ =	strace $0x80000046;
	[dreg:$0x1] =	wrdreg $0xFFFFFFFF  }
0xa7: {  	s28 =	simm.s32 $_size_execute0_lowered;
	s3 =	sadd.s32 s3, s5;
	[dreg:$0x0] =	wrdreg $0x0  }
0xa8: {  	s5 =	sshll.u32 s28, $0x1;
	[dreg:$0x2] =	wrdreg s3  }
0xa9: {  	[dreg:$0x3] =	wrdreg s5  }
0xaa: {  	[dreg:$0x4] =	wrdreg $0xC0  }
0xab: {  	_ =	task [dreg:s7], $0x5FFFF  }
0xac: {  	[dreg:$0x1] =	wrdreg $0xFFFFFFFF  }
0xad: {  	[dreg:$0x0] =	wrdreg $0x60  }
0xae: {  	[dreg:$0x2] =	wrdreg s2  }
0xaf: {  	[dreg:$0x3] =	wrdreg s24  }
0xb0: {  	[dreg:$0x4] =	wrdreg $0xCDA00  }
0xb1: {  	[dreg:$0x5] =	wrdreg $0x9  }
0xb2: {  	_ =	task.clear_ibuf [dreg:s7], $0x6FFFF;
	_ =	strace $0x90000046  }
0xb3: {  	s29 =	simm.s32 $0x9;
	_ =	strace $0x80000048  }
0xb4: {  	_ =	swait.ge [sflag:s29], $0x1  }
0xb5: {  	[sflag:s29] =	ssyncadd.s32 $0xFFFFFFFF  }
0xb6: {  	_ =	strace $0x90000048  }
0xb7: {  	_ =	sfence  }
0xb8: {  	s30 =	sld [smem:$0x0];
	_ =	sdelay $0x2  }
0xb9: {  	s31 =	sshll.u32 s1, $0xD;
	s1 =	sshrl.u32 s1, $0x2  }
0xba: {  	s3 =	sand.u32 $0x4000, s31;
	s1 =	sadd.s32 s1, s30  }
0xbb: {  	s0 =	sor.u32 s3, s0;
	s1 =	sshll.u32 s1, $0x11  }
0xbc: {  	s0 =	sor.u32 s1, s0  }
0xbd: {  	s0 =	sadd.s32 $0x8F2B, s0  }
0xbe: {  	[sflag:s0] =	ssyncadd.remote.s32 $0x1  }
0xbf: {  	_ =	sfence.sel $0xFFFF  }
0xc0: {  	[dreg:$0x0] =	wrdreg $0xFFFFFFFF;
	(pc) =	sbr.abs _section_cstart, $3  }
0xc1: {  	[dreg:$0x1] =	wrdreg $0xFFFFFFFF  }
0xc2: {  	_ =	task.clear_ibuf [dreg:s7], $0x2FFFF;
	_ =	strace $0x9FFFFFFF  }
0xc3: {  	(tm) =	ssettm $0x7FFFFFFF  }
tec
execute0_lowered:
.L_overlay_start_1:
0x0: {  	(tag) =	ssettag $0x1  }
0x1: {  	s2 =	rddreg [dreg:$0x0]  }
0x2: {  	s7 =	rddreg [dreg:$0x1]  }
0x3: {  	s0 =	srdreg.scid;
	s3 =	rddreg [dreg:$0x2]  }
0x4: {  	s4 =	simm.s32 $0x0;
	s15 =	simm.s32 $0xC350;
	s16 =	simm.s32 $0x50  }
0x5: {  	s17 =	simm.s32 $0xCD50;
	s6 =	sand.u32 $0x1, s0;
	s0 =	stileid.u32  }
0x6: {  	s18 =	simm.s32 $0x0;
	s1 =	sshll.u32 s6, $0x4;
	s9 =	smul.u32 $0x4E20, s0  }
0x7: {  	[smem:$0x7FF] =	sst s4;
	s10 =	smul.u32 $0x4E200, s6;
	s1 =	sor.u32 s0, s1  }
0x8: {  	s6 =	ssub.s32 $0x2, s6;
	s31 =	sshll.u32 s0, $0x6;
	s5 =	smul.u32 $0x4E2, s1  }
0x9: {  	s30 =	sshrl.u32 s6, $0x1;
	s8 =	smul.u32 $0x9C4, s1;
	s1 =	rddreg [dreg:$0x3]  }
0xa: {  	_ =	strace $0x80000047;
	s28 =	sadd.s32 s9, s10;
	s13 =	ssub.s32 s6, s30  }
0xb: {  	s14 =	sadd.s32 s9, s3;
	s6 =	sor.u32 $0x1C01, s31;
	s11 =	sadd.s32 s5, s7  }
0xc: {  	s12 =	sadd.s32 s8, s7;
	s5 =	sadd.s32 $0x15200, s7;
	s8 =	sshrl.u32 s28, $0x3  }
0xd: {  	s29 =	sadd.s32 s8, s7;
	s7 =	sadd.s32 $0xB400, s11;
	s8 =	sadd.s32 $0x1600, s11  }
0xe: {  	v0 =	vimm.f32 $0.0e+00;
	v3 =	vlaneseq.u32;
	s9 =	sadd.s32 $0x4F7200, s12;
	s11 =	smax.u32 s13, $0x1;
	s12 =	sshrl.u32 s14, $0x3  }
0xf: {  	v2 =	vimm.f32 $1.000000000e+00;
	v1 =	vmul.u32 $0x2, v3;
	v3 =	vmul.u32 $0x20, v3;
	s13 =	simm.s32 $0x1;
	s14 =	simm.s32 $0x7530;
	s10 =	sadd.s32 $0x15C00, s29  }
.LBB2_1:
0x10: {  	[spmem:s12], [sflag:s6] =	dma.local [hbm:s5], $0x9C4  }
0x11: {  	_ =	swait.ge [sflag:s13], $0x9C4  }
0x12: {  	[sflag:s13] =	ssyncset.done $0x0  }
0x13: {  	[sflag:s13] =	ssyncadd.s32 $0xFFFFF63C  }
0x14: {  	[tilespmem:s4], [sflag:$0x1] =	stream.linear.gather [hbm4b:s2+s4], $0x2710, $0x38;
	[tilespmem:$0x11BC0] =	vst v63  }
0x15: {  	_ =	swait.ge [sflag:s13], $0x2710  }
0x16: {  	[sflag:s13] =	ssyncset.done $0x0  }
0x17: {  	s19 =	simm.s32 $0x2710;
	[sflag:s13] =	ssyncadd.s32 $0xFFFFD8F0  }
0x18: {  	[tilespmem:s19], [sflag:$0x1] =	stream.linear.gather [hbm4b:s7+s4], $0x2710, $0x38;
	[tilespmem:$0x11BC0] =	vst v63  }
0x19: {  	_ =	swait.ge [sflag:s13], $0x2710  }
0x1a: {  	[sflag:s13] =	ssyncset.done $0x0  }
0x1b: {  	s20 =	simm.s32 $0x4E20;
	[sflag:s13] =	ssyncadd.s32 $0xFFFFD8F0  }
0x1c: {  	[tilespmem:s20], [sflag:$0x1] =	stream.linear.gather [hbm4b:s8+s4], $0x2710, $0x38;
	[tilespmem:$0x11BC0] =	vst v63  }
0x1d: {  	_ =	swait.ge [sflag:s13], $0x2710  }
0x1e: {  	[sflag:s13] =	ssyncset.done $0x0  }
0x1f: {  	[sflag:s13] =	ssyncadd.s32 $0xFFFFD8F0  }
0x20: {  	[tilespmem:s14], [sflag:$0x1] =	stream.linear.gather [hbm4b:s9+s4], $0x4E20, $0x38;
	[tilespmem:$0x11BC0] =	vst v63  }
0x21: {  	_ =	swait.ge [sflag:s13], $0x4E20  }
0x22: {  	[sflag:s13] =	ssyncset.done $0x0  }
0x23: {  	[sflag:s13] =	ssyncadd.s32 $0xFFFFB1E0  }
0x24: {  	s21 =	simm.s32 $0x0;
	s22 =	simm.s32 $0x0;
	[bflag:$0x0] =	sbarrier.arrive $0xFFFF  }
.LBB2_2:
0x25: {  	s23 =	simm.s32 $0x0;
	s24 =	simm.s32 $0x0  }
.LBB2_3:
0x26: {  	p0 =	sne.s32 s24, $0x2780  }
.Ltmp0:
0x27: {  	_ = 	snop;
	(pc) =	sbr.rel @p0 .LBB2_3-.Ltmp0, $4  }
0x28: {  	_ = 	snop  }
0x29: {  	s25 =	sshra.s32 s24, $0x2  }
0x2a: {  	[tilespmem:s25+$0xC350] =	vst v0  }
0x2b: {  	s24 =	sadd.s32 $0x80, s24;
	[tilespmem:s25+$0xC360] =	vst v0  }
0x2c: {  	s24 =	sadd.s32 $0x0, s21  }
0x2d: {  	v4 =	vmov s24  }
0x2e: {  	v4 =	vshll.u32 v4, $0x1  }
0x2f: {  	v4 =	vor.u32 v1, v4  }
0x30: {  	v5 =	vor.u32 $0x1, v4;
	_ =	sdelay $0x4  }
0x31: {  	v5 =	vld.idx.msk [tilespmem:v5+s14+$0x0], $0xffff  }
0x32: {  	v4 =	vld.idx.msk [tilespmem:v4+s14+$0x0], $0xffff;
	_ =	sdelay $0x3  }
0x33: {  	v10 =	vmul.f32 $4.000000000e+00, v5  }
0x34: {  	v9 =	vmul.f32 $4.000000000e+00, v4  }
0x35: {  	v8 =	vld [tilespmem:s19+$0x0];
	v4 =	vtrunc.f32 v10  }
0x36: {  	v5 =	vmov s23;
	v6 =	vtrunc.f32 v9;
	v7 =	vcvt.f32.s32 v4  }
0x37: {  	s31 =	sadd.s32 $0x10, s21;
	v4 =	vshll.u32 v5, $0x5;
	v5 =	vcvt.f32.s32 v6  }
0x38: {  	v6 =	vmov s31;
	vm0 =	vgt.s32 v7, $0x0  }
0x39: {  	v4 =	vor.u32 v3, v4;
	vm1 =	vgt.s32 v5, $0x0;
	v7 =	vnsel vm0, $0x0, v7  }
0x3a: {  	v6 =	vshll.u32 v6, $0x1;
	v11 =	vnsel vm1, $0x0, v5;
	v7 =	vmin.u32 v7, $0x3  }
0x3b: {  	v5 =	vor.u32 v1, v6;
	v15 =	vmin.u32 v11, $0x3;
	v11 =	vmul.u32 $0x5, v7  }
0x3c: {  	v6 =	vor.u32 $0x1, v5;
	v16 =	vcvt.s32.f32 v15;
	v17 =	vcvt.s32.f32 v7  }
0x3d: {  	s25 =	simm.s32 $0x10;
	s30 =	simm.s32 $0x20;
	s26 =	smov.u32 s19;
	v8 =	vld.idx.msk [tilespmem:v8+s4+$0x0], $0xffff;
	v13 =	vadd.s32 $0x1, v15;
	v14 =	vadd.s32 v15, v11;
	v12 =	vadd.s32 $0x5, v11  }
0x3e: {  	s28 =	simm.s32 $0xCD50;
	s24 =	sadd.s32 $0x10, s20;
	s23 =	simm.s32 $0xCD50;
	v7 =	vld [tilespmem:s20+$0x0];
	v9 =	vsub.f32 v9, v16;
	v10 =	vsub.f32 v10, v17;
	v15 =	vadd.s32 v15, v12  }
.LBB2_5:
0x3f: {  	s23 =	sadd.s32 $0x10, s23  }
0x40: {  	v14 =	vor.u32 v4, v14;
	v16 =	vand.u32 $0x38, v15;
	v15 =	vand.u32 $0x7, v15;
	s26 =	sadd.s32 $0x10, s26;
	s31 =	smov.u32 s30;
	s29 =	sadd.s32 $0x10, s30  }
0x41: {  	p0 =	sne.s32 s30, $0x40;
	v17 =	vsub.f32 $1.000000000e+00, v9;
	v18 =	vsub.f32 $1.000000000e+00, v10;
	v16 =	vadd.s32 v4, v16  }
0x42: {  	v11 =	vadd.s32 v13, v11;
	v12 =	vadd.s32 v13, v12;
	v15 =	vor.u32 v15, v16  }
0x43: {  	v13 =	vmul.f32 v18, v17;
	v16 =	vmul.f32 v10, v17;
	v17 =	vand.u32 $0x38, v12  }
0x44: {  	v11 =	vor.u32 v4, v11;
	v12 =	vand.u32 $0x7, v12;
	v17 =	vadd.s32 v4, v17  }
0x45: {  	v18 =	vmul.f32 v18, v9;
	v13 =	vmul.f32 v13, v8;
	v12 =	vor.u32 v12, v17  }
0x46: {  	v9 =	vmul.f32 v10, v9;
	v4 =	vor.u32 $0x19, v4;
	v16 =	vmul.f32 v16, v8  }
0x47: {  	v10 =	vmul.f32 v18, v8;
	[tilespmem:v14+s15+$0x0] =	vst.idx.add.f32.msk $0xffff, v13  }
0x48: {  	v8 =	vmul.f32 v9, v8;
	[tilespmem:v15+s15+$0x0] =	vst.idx.add.f32.msk $0xffff, v16  }
0x49: {  	[tilespmem:v11+s15+$0x0] =	vst.idx.add.f32.msk $0xffff, v10  }
0x4a: {  	[tilespmem:v12+s15+$0x0] =	vst.idx.add.f32.msk $0xffff, v8  }
0x4b: {  	[tilespmem:v4+s15+$0x0] =	vst.idx.add.f32.msk $0xffff, v2  }
0x4c: {  	[tilespmem:s28+$0x0] =	vst v7;
	s28 =	smov.u32 s23  }
0x4d: {  	v4 =	vld.idx.msk [tilespmem:v6+s14+$0x0], $0xffff  }
0x4e: {  	v5 =	vld.idx.msk [tilespmem:v5+s14+$0x0], $0xffff;
	_ =	sdelay $0x2  }
0x4f: {  	v6 =	vmov s25;
	s25 =	smov.u32 s31  }
0x50: {  	v6 =	vshll.u32 v6, $0x5  }
0x51: {  	v10 =	vmul.f32 $4.000000000e+00, v4  }
0x52: {  	v9 =	vmul.f32 $4.000000000e+00, v5  }
0x53: {  	v4 =	vor.u32 v3, v6;
	v5 =	vtrunc.f32 v10  }
0x54: {  	v6 =	vtrunc.f32 v9;
	v5 =	vcvt.f32.s32 v5;
	v8 =	vld [tilespmem:s26+$0x0]  }
0x55: {  	v6 =	vcvt.f32.s32 v6  }
0x56: {  	s30 =	sadd.s32 s25, s21;
	vm0 =	vgt.s32 v5, $0x0  }
0x57: {  	v7 =	vmov s30;
	vm1 =	vgt.s32 v6, $0x0;
	v5 =	vnsel vm0, $0x0, v5  }
.Ltmp1:
0x58: {  	v11 =	vshll.u32 v7, $0x1;
	v6 =	vnsel vm1, $0x0, v6;
	v12 =	vmin.u32 v5, $0x3;
	v7 =	vld [tilespmem:s24+$0x0];
	(pc) =	sbr.rel @p0 .LBB2_5-.Ltmp1, $4  }
0x59: {  	v5 =	vor.u32 v1, v11;
	v15 =	vmin.u32 v6, $0x3;
	v11 =	vmul.u32 $0x5, v12  }
0x5a: {  	v6 =	vor.u32 $0x1, v5;
	v17 =	vcvt.s32.f32 v12;
	v16 =	vcvt.s32.f32 v15  }
0x5b: {  	v13 =	vadd.s32 $0x1, v15;
	v14 =	vadd.s32 v15, v11;
	v12 =	vadd.s32 $0x5, v11  }
0x5c: {  	s30 =	smov.u32 s29;
	s24 =	sadd.s32 $0x10, s24;
	v10 =	vsub.f32 v10, v17;
	v9 =	vsub.f32 v9, v16;
	v15 =	vadd.s32 v15, v12;
	v8 =	vld.idx.msk [tilespmem:v8+s4+$0x0], $0xffff  }
0x5d: {  	v14 =	vor.u32 v4, v14;
	v16 =	vand.u32 $0x38, v15;
	v39 =	vand.u32 $0x7, v15  }
0x5e: {  	v12 =	vadd.s32 v13, v12;
	v17 =	vsub.f32 $1.000000000e+00, v9;
	v18 =	vsub.f32 $1.000000000e+00, v10  }
0x5f: {  	v11 =	vadd.s32 v13, v11;
	v16 =	vadd.s32 v4, v16;
	v42 =	vand.u32 $0x38, v12  }
0x60: {  	v11 =	vor.u32 v4, v11;
	v15 =	vor.u32 v39, v16;
	v40 =	vmul.f32 v18, v17  }
0x61: {  	v12 =	vand.u32 $0x7, v12;
	v41 =	vmul.f32 v10, v17;
	v17 =	vadd.s32 v4, v42  }
0x62: {  	v18 =	vmul.f32 v18, v9;
	v12 =	vor.u32 v12, v17;
	v13 =	vmul.f32 v40, v8  }
0x63: {  	v43 =	vmul.f32 v10, v9;
	v4 =	vor.u32 $0x19, v4;
	v16 =	vmul.f32 v41, v8  }
0x64: {  	v44 =	vmul.f32 v18, v8;
	[tilespmem:v14+s15+$0x0] =	vst.idx.add.f32.msk $0xffff, v13  }
0x65: {  	v45 =	vmul.f32 v43, v8;
	[tilespmem:v15+s15+$0x0] =	vst.idx.add.f32.msk $0xffff, v16  }
0x66: {  	[tilespmem:v11+s15+$0x0] =	vst.idx.add.f32.msk $0xffff, v44  }
0x67: {  	[tilespmem:v12+s15+$0x0] =	vst.idx.add.f32.msk $0xffff, v45  }
0x68: {  	[tilespmem:v4+s15+$0x0] =	vst.idx.add.f32.msk $0xffff, v2  }
0x69: {  	[tilespmem:s28+$0x0] =	vst v7  }
0x6a: {  	v4 =	vld.idx.msk [tilespmem:v6+s14+$0x0], $0xffff  }
0x6b: {  	v5 =	vld.idx.msk [tilespmem:v5+s14+$0x0], $0xffff;
	_ =	sdelay $0x3  }
0x6c: {  	v4 =	vmul.f32 $4.000000000e+00, v4  }
0x6d: {  	v5 =	vmul.f32 $4.000000000e+00, v5  }
0x6e: {  	v46 =	vtrunc.f32 v4  }
0x6f: {  	s26 =	sadd.s32 $0x10, s26;
	v47 =	vtrunc.f32 v5;
	v6 =	vcvt.f32.s32 v46  }
0x70: {  	v8 =	vld [tilespmem:s26+$0x0];
	v7 =	vcvt.f32.s32 v47  }
0x71: {  	vm0 =	vgt.s32 v6, $0x0  }
0x72: {  	vm1 =	vgt.s32 v7, $0x0;
	v6 =	vnsel vm0, $0x0, v6  }
0x73: {  	v48 =	vmov s25;
	v7 =	vnsel vm1, $0x0, v7;
	v6 =	vmin.u32 v6, $0x3  }
0x74: {  	v9 =	vshll.u32 v48, $0x5;
	v7 =	vmin.u32 v7, $0x3;
	v49 =	vmul.u32 $0x5, v6  }
0x75: {  	v9 =	vor.u32 v3, v9;
	v50 =	vcvt.s32.f32 v7;
	v6 =	vcvt.s32.f32 v6  }
0x76: {  	v53 =	vadd.s32 $0x1, v7;
	v51 =	vadd.s32 v7, v49;
	v52 =	vadd.s32 $0x5, v49  }
0x77: {  	v5 =	vsub.f32 v5, v50;
	v4 =	vsub.f32 v4, v6;
	v10 =	vadd.s32 v53, v49  }
0x78: {  	v55 =	vld.idx.msk [tilespmem:v8+s4+$0x0], $0xffff;
	v54 =	vadd.s32 v7, v52;
	v56 =	vor.u32 v9, v51;
	v60 =	vadd.s32 v53, v52  }
0x79: {  	v57 =	vand.u32 $0x38, v54;
	v58 =	vsub.f32 $1.000000000e+00, v5;
	v59 =	vsub.f32 $1.000000000e+00, v4  }
0x7a: {  	v10 =	vor.u32 v9, v10;
	v6 =	vand.u32 $0x7, v54;
	v11 =	vadd.s32 v9, v57  }
0x7b: {  	v14 =	vand.u32 $0x38, v60;
	v6 =	vor.u32 v6, v11;
	v61 =	vmul.f32 v59, v58  }
0x7c: {  	v14 =	vadd.s32 v9, v14;
	v12 =	vmul.f32 v4, v58;
	v11 =	vand.u32 $0x7, v60  }
0x7d: {  	v15 =	vmul.f32 v59, v5;
	v11 =	vor.u32 v11, v14;
	v13 =	vmul.f32 v61, v55  }
0x7e: {  	v62 =	vld [tilespmem:s24+$0x0];
	v4 =	vmul.f32 v4, v5;
	v5 =	vor.u32 $0x19, v9;
	v12 =	vmul.f32 v12, v55  }
0x7f: {  	v63 =	vmul.f32 v15, v55;
	[tilespmem:v56+s15+$0x0] =	vst.idx.add.f32.msk $0xffff, v13  }
0x80: {  	v4 =	vmul.f32 v4, v55;
	[tilespmem:v6+s15+$0x0] =	vst.idx.add.f32.msk $0xffff, v12  }
0x81: {  	[tilespmem:v10+s15+$0x0] =	vst.idx.add.f32.msk $0xffff, v63  }
0x82: {  	s22 =	sadd.s32 $0x1, s22;
	[tilespmem:v11+s15+$0x0] =	vst.idx.add.f32.msk $0xffff, v4  }
0x83: {  	s23 =	sadd.s32 $0x10, s23;
	p0 =	sne.s32 s22, $0x7D;
	[tilespmem:v5+s15+$0x0] =	vst.idx.add.f32.msk $0xffff, v2  }
.Ltmp2:
0x84: {  	[tilespmem:s23+$0x0] =	vst v62;
	(pc) =	sbr.rel @p0 .LBB2_2-.Ltmp2, $4  }
0x85: {  	[spmem:s3] =	stream.indirect.scatter.add.f32 [tilespmem:s15], [sflag:$0x1], $0x20, s17, s16, $0xb8;
	[tilespmem:$0x11BC0] =	vst v63  }
0x86: {  	_ =	swait.ge [sflag:s13], $0xA00  }
0x87: {  	s19 =	sadd.s32 $0x50, s19;
	[sflag:s13] =	ssyncset.done $0x0  }
0x88: {  	s20 =	sadd.s32 $0x50, s20;
	s21 =	sadd.s32 $0x50, s21;
	[sflag:s13] =	ssyncadd.s32 $0xFFFFF600  }
0x89: {  	s18 =	sadd.s32 $0x1, s18  }
0x8a: {  	p0 =	sne.s32 s18, s11  }
.Ltmp3:
0x8b: {  	[bflag:$0x0] =	sbarrier.arrive $0xFFFF;
	(pc) =	sbr.rel @p0 .LBB2_1-.Ltmp3, $4  }
0x8c: {  	[hbm:s10], [sflag:s6] =	dma.local [spmem:s12], $0x9C4  }
0x8d: {  	_ =	swait.ge [sflag:s13], $0x9C4  }
0x8e: {  	[sflag:s13] =	ssyncset.done $0x0  }
0x8f: {  	[sflag:s13] =	ssyncadd.s32 $0xFFFFF63C  }
0x90: {  	_ =	sfence.sel $0x180000  }
0x91: {  	[bflag:$0x0] =	sbarrier.arrive $0xFFFF  }
0x92: {  	p0 =	sne.s32 s0, $0x0;
	_ =	strace $0x90000047  }
0x93: {  	s0 =	sadd.s32 @!p0 $0x100000, s1;
	[bflag:$0x2] =	sbarrier.arrive $0xFFFF  }
0x94: {  	[sflag:s0] =	ssyncadd.tile.s32 @!p0 $0x1;
	_ =	shalt  }
.Lfunc_end2:
_tile_overlayer_lowered:
.L_overlay_start_2:
0x95: {  	(tag) =	ssettag $0x2  }
0x96: {  	s0 =	rddreg [dreg:$0x0];
	s2 =	stileid.u32  }
0x97: {  	s1 =	rddreg [dreg:$0x1];
	p0 =	sne.s32 s2, $0x0  }
0x98: {  	s3 =	rddreg [dreg:$0x2];
	[bflag:$0x3] =	sbarrier.arrive $0xFFFF;
	s2 =	simm.s32 @!p0 $0x1C01  }
0x99: {  	[timem:s3], [sflag:s2] =	dma.local @!p0 [hbm:s0], s1  }
0x9a: {  	s0 =	simm.s32 @!p0 $0x1  }
0x9b: {  	_ =	swait.ge @!p0 [sflag:s0], s1  }
0x9c: {  	s1 =	ssub.s32 @!p0 $0x0, s1;
	[sflag:s0] =	ssyncset.done @!p0 $0x0  }
0x9d: {  	[sflag:s0] =	ssyncadd.s32 @!p0 s1  }
0x9e: {  	[bflag:$0x3] =	sbarrier.arrive $0xFFFF  }
0x9f: {  	_ =	shalt  }

</sc_bundles>
